<compile_context>
chip_gen: v7x
topology: tpu7x:2x2x1
jax: 0.10.2.dev20260603
libtpu: 0.0.44.dev20260713+nightly
codegen_flags: <defaults>
</compile_context>

<pallas_src>
import jax
import jax.numpy as jnp
from jax import lax
from jax.experimental import pallas as pl
from jax.experimental.pallas import tpu as pltpu
from jax.experimental.pallas import tpu_sc as plsc

NC, NS = 2, 16
NW = NC * NS
SAMP = 16
H = 50
HP = 56
HP2 = 2 * HP
LP = 128


def _emb_body(x_hbm, table_hbm, out_hbm, idx0, idx1, rows0, rows1,
              sem_g0, sem_g1, sem_o0, sem_o1):
    wid = lax.axis_index("s") * NC + lax.axis_index("c")
    n_samples = x_hbm.shape[0]
    per_w = n_samples // NW
    n_chunks = per_w // SAMP
    base = wid * per_w

    idx_b = (idx0, idx1)
    rows_b = (rows0, rows1)
    sem_gb = (sem_g0, sem_g1)
    sem_ob = (sem_o0, sem_o1)

    def stage(g, b):
        b0 = base + g * SAMP
        pltpu.sync_copy(
            x_hbm.at[pl.ds(b0, 8), pl.ds(0, HP)],
            idx_b[b].at[:, pl.ds(0, HP)],
        )
        pltpu.sync_copy(
            x_hbm.at[pl.ds(b0 + 8, 8), pl.ds(0, HP)],
            idx_b[b].at[:, pl.ds(HP, HP)],
        )

    def drain_outs(b):
        for h in range(2):
            pltpu.make_async_copy(
                rows_b[b].at[:, pl.ds(h * HP, HP), :],
                out_hbm.at[pl.ds(0, 8), pl.ds(0, HP), pl.ds(0, 32)],
                sem_ob[b],
            ).wait()

    def fire_gathers(b):
        return [
            pltpu.async_copy(
                table_hbm.at[idx_b[b].at[j]],
                rows_b[b].at[j],
                sem_gb[b],
            )
            for j in range(8)
        ]

    def fire_outs(g, b):
        b0 = base + g * SAMP
        for h in range(2):
            pltpu.async_copy(
                rows_b[b].at[:, pl.ds(h * HP, HP), :],
                out_hbm.at[pl.ds(b0 + 8 * h, 8), pl.ds(0, HP), pl.ds(0, 32)],
                sem_ob[b],
            )

    def pair(p, carry):
        g0 = 2 * p
        g1 = g0 + 1

        @pl.when(g0 >= 2)
        def _():
            drain_outs(0)

        gathers0 = fire_gathers(0)
        stage(g1, 1)

        @pl.when(g1 >= 2)
        def _():
            drain_outs(1)

        gathers1 = fire_gathers(1)

        @pl.when(g0 + 2 < n_chunks)
        def _():
            stage(g0 + 2, 0)

        for cp in gathers0:
            cp.wait()
        fire_outs(g0, 0)
        for cp in gathers1:
            cp.wait()
        fire_outs(g1, 1)
        return carry

    stage(0, 0)
    lax.fori_loop(0, n_chunks // 2, pair, None)

    for b in range(2):
        for h in range(2):
            pltpu.make_async_copy(
                rows_b[b].at[:, pl.ds(h * HP, HP), :],
                out_hbm.at[pl.ds(0, 8), pl.ds(0, HP), pl.ds(0, 32)],
                sem_ob[b],
            ).wait()


def kernel(x, table):
    B, Hx = x.shape
    V, D = table.shape

    xp = jnp.pad(x, ((0, 0), (0, LP - Hx)), mode="edge")

    grid_kernel = pl.kernel(
        _emb_body,
        out_type=jax.ShapeDtypeStruct((B, HP, LP), jnp.float32),
        mesh=plsc.VectorSubcoreMesh(
            core_axis_name="c", subcore_axis_name="s"
        ),
        scratch_types=[
            pltpu.VMEM((8, HP2), jnp.int32),
            pltpu.VMEM((8, HP2), jnp.int32),
            pltpu.VMEM((8, HP2, D), jnp.float32),
            pltpu.VMEM((8, HP2, D), jnp.float32),
            pltpu.SemaphoreType.DMA,
            pltpu.SemaphoreType.DMA,
            pltpu.SemaphoreType.DMA,
            pltpu.SemaphoreType.DMA,
        ],
        compiler_params=pltpu.CompilerParams(use_tc_tiling_on_sc=False),
    )
    out_pad = grid_kernel(xp, table)
    return out_pad[:, :Hx, :D]

# --- scband reference (transcript-rebuilt; emitter-appended) ---
"""Pipeline reference for scband-vocab-embedding-41240275976541 (READ-ONLY COPY).

The authoritative reference and input builder live on the scoring server;
editing this copy changes nothing except your own understanding.
"""

import jax, jax.numpy as jnp
import numpy as np

VOCAB = 1000000
EMBED_DIM = 32
BATCH = 16384
HIST = 50

def setup_inputs(seed: int = 0) -> dict:
    key = jax.random.key(seed)
    k_idx, k_tab = jax.random.split(key)
    x = jax.random.randint(k_idx, (BATCH, HIST), 0, VOCAB, dtype=jnp.int64 if jax.config.read('jax_enable_x64') else jnp.int32)
    table = jax.random.normal(k_tab, (VOCAB, EMBED_DIM), dtype=jnp.float32) * 0.02
    return {"x": x, "table": table}

def reference(x, table):
    # nn.Embedding forward: gather rows of the table by index
    return jnp.take(table, x, axis=0)

if __name__ == "__main__":
    import jax
    _d = setup_inputs()
    print(jax.jit(kernel)(*tuple(_d.values())))

</pallas_src>

<mosaic_0001>
#map = affine_map<(d0, d1) -> (0, 0)>
#map1 = affine_map<(d0, d1) -> (0, 0, 0)>
module attributes {stable_mosaic.version = 14 : i64} {
  func.func @_emb_body(%arg0: i32, %arg1: i32, %arg2: memref<16384x128xi32, #tpu.memory_space<hbm>>, %arg3: memref<1000000x32xf32, #tpu.memory_space<hbm>>, %arg4: memref<16384x56x128xf32, #tpu.memory_space<hbm>>, %arg5: memref<8x112xi32, #tpu.memory_space<vmem>>, %arg6: memref<8x112xi32, #tpu.memory_space<vmem>>, %arg7: memref<8x112x32xf32, #tpu.memory_space<vmem>>, %arg8: memref<8x112x32xf32, #tpu.memory_space<vmem>>, %arg9: memref<!tpu.dma_semaphore, #tpu.memory_space<semaphore_mem>>, %arg10: memref<!tpu.dma_semaphore, #tpu.memory_space<semaphore_mem>>, %arg11: memref<!tpu.dma_semaphore, #tpu.memory_space<semaphore_mem>>, %arg12: memref<!tpu.dma_semaphore, #tpu.memory_space<semaphore_mem>>) attributes {dimension_semantics = [#tpu.dimension_semantics<core_parallel>, #tpu.dimension_semantics<subcore_parallel>], iteration_bounds = array<i64: 2, 16>, scalar_prefetch = 0 : i64, scratch_operands = 8 : i64, tpu.core_type = #tpu.core_type<sc_vector_subcore>, window_params = [{transform_indices = #map}, {transform_indices = #map}, {transform_indices = #map1}]} {
    %mul3A = arith.constant 2 : i32
    %mul3A_0 = arith.muli %arg1, %mul3A : i32
    %add3A = arith.addi %mul3A_0, %arg0 : i32
    %mul3A_1 = arith.constant 512 : i32
    %mul3A_2 = arith.muli %add3A, %mul3A_1 : i32
    %add3A_3 = arith.constant 0 : i32
    %add3A_4 = arith.addi %mul3A_2, %add3A_3 : i32
    "tpu.region"() ({
      %run_scoped3A = tpu.sem_alloc : memref<!tpu.dma_semaphore, #tpu.memory_space<semaphore_mem>>
      %dma_start3A = arith.constant 0 : i32
      %dma_start3A_74 = arith.constant 0 : i32
      %dma_start3A_75 = tpu.memref_slice %arg5[%dma_start3A, %dma_start3A_74] : memref<8x112xi32, #tpu.memory_space<vmem>> -> memref<8x56xi32, #tpu.memory_space<vmem>>
      %dma_start3A_76 = arith.constant 0 : i32
      %dma_start3A_77 = tpu.memref_slice %arg2[%add3A_4, %dma_start3A_76] : memref<16384x128xi32, #tpu.memory_space<hbm>> -> memref<8x56xi32, #tpu.memory_space<hbm>>
      %dma_start3A_78 = arith.constant 0 : i32
      %dma_start3A_79 = arith.constant 0 : i32
      %dma_start3A_80 = tpu.memref_slice %arg5[%dma_start3A_78, %dma_start3A_79] : memref<8x112xi32, #tpu.memory_space<vmem>> -> memref<8x56xi32, #tpu.memory_space<vmem>>
      %dma_start3A_81 = arith.constant 0 : i32
      %dma_start3A_82 = tpu.memref_slice %arg2[%add3A_4, %dma_start3A_81] : memref<16384x128xi32, #tpu.memory_space<hbm>> -> memref<8x56xi32, #tpu.memory_space<hbm>>
      tpu.enqueue_dma source(%dma_start3A_82 : memref<8x56xi32, #tpu.memory_space<hbm>>) target(%dma_start3A_80 : memref<8x56xi32, #tpu.memory_space<vmem>>) target_semaphore(%run_scoped3A : memref<!tpu.dma_semaphore, #tpu.memory_space<semaphore_mem>>)
      %dma_wait3A_83 = arith.constant 0 : i32
      %dma_wait3A_84 = arith.constant 0 : i32
      %dma_wait3A_85 = tpu.memref_slice %arg5[%dma_wait3A_83, %dma_wait3A_84] : memref<8x112xi32, #tpu.memory_space<vmem>> -> memref<8x56xi32, #tpu.memory_space<vmem>>
      %dma_wait3A_86 = arith.constant 0 : i32
      %dma_wait3A_87 = tpu.memref_slice %arg2[%add3A_4, %dma_wait3A_86] : memref<16384x128xi32, #tpu.memory_space<hbm>> -> memref<8x56xi32, #tpu.memory_space<hbm>>
      %dma_wait3A_88 = arith.constant 0 : i32
      %dma_wait3A_89 = arith.constant 0 : i32
      %dma_wait3A_90 = tpu.memref_slice %arg5[%dma_wait3A_88, %dma_wait3A_89] : memref<8x112xi32, #tpu.memory_space<vmem>> -> memref<8x56xi32, #tpu.memory_space<vmem>>
      %dma_wait3A_91 = arith.constant 0 : i32
      %dma_wait3A_92 = tpu.memref_slice %arg2[%add3A_4, %dma_wait3A_91] : memref<16384x128xi32, #tpu.memory_space<hbm>> -> memref<8x56xi32, #tpu.memory_space<hbm>>
      tpu.wait_dma2 semaphore(%run_scoped3A : memref<!tpu.dma_semaphore, #tpu.memory_space<semaphore_mem>>) src(%dma_wait3A_92 : memref<8x56xi32, #tpu.memory_space<hbm>>) dst(%dma_wait3A_90 : memref<8x56xi32, #tpu.memory_space<vmem>>)
      tpu.yield
    }) : () -> ()
    %add3A_5 = arith.constant 8 : i32
    %add3A_6 = arith.addi %add3A_4, %add3A_5 : i32
    "tpu.region"() ({
      %run_scoped3A = tpu.sem_alloc : memref<!tpu.dma_semaphore, #tpu.memory_space<semaphore_mem>>
      %dma_start3A = arith.constant 0 : i32
      %dma_start3A_74 = arith.constant 56 : i32
      %dma_start3A_75 = tpu.memref_slice %arg5[%dma_start3A, %dma_start3A_74] : memref<8x112xi32, #tpu.memory_space<vmem>> -> memref<8x56xi32, #tpu.memory_space<vmem>>
      %dma_start3A_76 = arith.constant 0 : i32
      %dma_start3A_77 = tpu.memref_slice %arg2[%add3A_6, %dma_start3A_76] : memref<16384x128xi32, #tpu.memory_space<hbm>> -> memref<8x56xi32, #tpu.memory_space<hbm>>
      %dma_start3A_78 = arith.constant 0 : i32
      %dma_start3A_79 = arith.constant 56 : i32
      %dma_start3A_80 = tpu.memref_slice %arg5[%dma_start3A_78, %dma_start3A_79] : memref<8x112xi32, #tpu.memory_space<vmem>> -> memref<8x56xi32, #tpu.memory_space<vmem>>
      %dma_start3A_81 = arith.constant 0 : i32
      %dma_start3A_82 = tpu.memref_slice %arg2[%add3A_6, %dma_start3A_81] : memref<16384x128xi32, #tpu.memory_space<hbm>> -> memref<8x56xi32, #tpu.memory_space<hbm>>
      tpu.enqueue_dma source(%dma_start3A_82 : memref<8x56xi32, #tpu.memory_space<hbm>>) target(%dma_start3A_80 : memref<8x56xi32, #tpu.memory_space<vmem>>) target_semaphore(%run_scoped3A : memref<!tpu.dma_semaphore, #tpu.memory_space<semaphore_mem>>)
      %dma_wait3A_83 = arith.constant 0 : i32
      %dma_wait3A_84 = arith.constant 56 : i32
      %dma_wait3A_85 = tpu.memref_slice %arg5[%dma_wait3A_83, %dma_wait3A_84] : memref<8x112xi32, #tpu.memory_space<vmem>> -> memref<8x56xi32, #tpu.memory_space<vmem>>
      %dma_wait3A_86 = arith.constant 0 : i32
      %dma_wait3A_87 = tpu.memref_slice %arg2[%add3A_6, %dma_wait3A_86] : memref<16384x128xi32, #tpu.memory_space<hbm>> -> memref<8x56xi32, #tpu.memory_space<hbm>>
      %dma_wait3A_88 = arith.constant 0 : i32
      %dma_wait3A_89 = arith.constant 56 : i32
      %dma_wait3A_90 = tpu.memref_slice %arg5[%dma_wait3A_88, %dma_wait3A_89] : memref<8x112xi32, #tpu.memory_space<vmem>> -> memref<8x56xi32, #tpu.memory_space<vmem>>
      %dma_wait3A_91 = arith.constant 0 : i32
      %dma_wait3A_92 = tpu.memref_slice %arg2[%add3A_6, %dma_wait3A_91] : memref<16384x128xi32, #tpu.memory_space<hbm>> -> memref<8x56xi32, #tpu.memory_space<hbm>>
      tpu.wait_dma2 semaphore(%run_scoped3A : memref<!tpu.dma_semaphore, #tpu.memory_space<semaphore_mem>>) src(%dma_wait3A_92 : memref<8x56xi32, #tpu.memory_space<hbm>>) dst(%dma_wait3A_90 : memref<8x56xi32, #tpu.memory_space<vmem>>)
      tpu.yield
    }) : () -> ()
    %scan3A = arith.constant 0 : i32
    %scan3A_7 = arith.constant 16 : i32
    %scan3A_8 = arith.addi %scan3A, %scan3A_7 : i32
    %scan3A_9 = arith.constant 1 : i32
    scf.for %scan3A_74 = %scan3A to %scan3A_8 step %scan3A_9  : i32 {
      %mul3A_75 = arith.constant 2 : i32
      %mul3A_76 = arith.muli %mul3A_75, %scan3A_74 : i32
      %add3A_77 = arith.constant 1 : i32
      %add3A_78 = arith.addi %mul3A_76, %add3A_77 : i32
      %ge3A = arith.constant 2 : i32
      %ge3A_79 = arith.cmpi sge, %mul3A_76, %ge3A : i32
      %convert_element_type3A = arith.extui %ge3A_79 : i1 to i32
      %cond3A = arith.constant 0 : i32
      %cond3A_80 = arith.cmpi ne, %convert_element_type3A, %cond3A : i32
      scf.if %cond3A_80 {
        %dma_wait3A_550 = arith.constant 0 : i32
        %dma_wait3A_551 = arith.constant 0 : i32
        %dma_wait3A_552 = arith.constant 0 : i32
        %dma_wait3A_553 = tpu.memref_slice %arg7[%dma_wait3A_550, %dma_wait3A_551, %dma_wait3A_552] : memref<8x112x32xf32, #tpu.memory_space<vmem>> -> memref<8x56x32xf32, #tpu.memory_space<vmem>>
        %dma_wait3A_554 = arith.constant 0 : i32
        %dma_wait3A_555 = arith.constant 0 : i32
        %dma_wait3A_556 = arith.constant 0 : i32
        %dma_wait3A_557 = tpu.memref_slice %arg4[%dma_wait3A_554, %dma_wait3A_555, %dma_wait3A_556] : memref<16384x56x128xf32, #tpu.memory_space<hbm>> -> memref<8x56x32xf32, #tpu.memory_space<hbm>>
        %dma_wait3A_558 = arith.constant 0 : i32
        %dma_wait3A_559 = arith.constant 0 : i32
        %dma_wait3A_560 = arith.constant 0 : i32
        %dma_wait3A_561 = tpu.memref_slice %arg4[%dma_wait3A_558, %dma_wait3A_559, %dma_wait3A_560] : memref<16384x56x128xf32, #tpu.memory_space<hbm>> -> memref<8x56x32xf32, #tpu.memory_space<hbm>>
        %dma_wait3A_562 = arith.constant 0 : i32
        %dma_wait3A_563 = arith.constant 0 : i32
        %dma_wait3A_564 = arith.constant 0 : i32
        %dma_wait3A_565 = tpu.memref_slice %arg7[%dma_wait3A_562, %dma_wait3A_563, %dma_wait3A_564] : memref<8x112x32xf32, #tpu.memory_space<vmem>> -> memref<8x56x32xf32, #tpu.memory_space<vmem>>
        tpu.wait_dma2 semaphore(%arg11 : memref<!tpu.dma_semaphore, #tpu.memory_space<semaphore_mem>>) src(%dma_wait3A_565 : memref<8x56x32xf32, #tpu.memory_space<vmem>>) dst(%dma_wait3A_561 : memref<8x56x32xf32, #tpu.memory_space<hbm>>)
        %dma_wait3A_566 = arith.constant 0 : i32
        %dma_wait3A_567 = arith.constant 56 : i32
        %dma_wait3A_568 = arith.constant 0 : i32
        %dma_wait3A_569 = tpu.memref_slice %arg7[%dma_wait3A_566, %dma_wait3A_567, %dma_wait3A_568] : memref<8x112x32xf32, #tpu.memory_space<vmem>> -> memref<8x56x32xf32, #tpu.memory_space<vmem>>
        %dma_wait3A_570 = arith.constant 0 : i32
        %dma_wait3A_571 = arith.constant 0 : i32
        %dma_wait3A_572 = arith.constant 0 : i32
        %dma_wait3A_573 = tpu.memref_slice %arg4[%dma_wait3A_570, %dma_wait3A_571, %dma_wait3A_572] : memref<16384x56x128xf32, #tpu.memory_space<hbm>> -> memref<8x56x32xf32, #tpu.memory_space<hbm>>
        %dma_wait3A_574 = arith.constant 0 : i32
        %dma_wait3A_575 = arith.constant 0 : i32
        %dma_wait3A_576 = arith.constant 0 : i32
        %dma_wait3A_577 = tpu.memref_slice %arg4[%dma_wait3A_574, %dma_wait3A_575, %dma_wait3A_576] : memref<16384x56x128xf32, #tpu.memory_space<hbm>> -> memref<8x56x32xf32, #tpu.memory_space<hbm>>
        %dma_wait3A_578 = arith.constant 0 : i32
        %dma_wait3A_579 = arith.constant 56 : i32
        %dma_wait3A_580 = arith.constant 0 : i32
        %dma_wait3A_581 = tpu.memref_slice %arg7[%dma_wait3A_578, %dma_wait3A_579, %dma_wait3A_580] : memref<8x112x32xf32, #tpu.memory_space<vmem>> -> memref<8x56x32xf32, #tpu.memory_space<vmem>>
        tpu.wait_dma2 semaphore(%arg11 : memref<!tpu.dma_semaphore, #tpu.memory_space<semaphore_mem>>) src(%dma_wait3A_581 : memref<8x56x32xf32, #tpu.memory_space<vmem>>) dst(%dma_wait3A_577 : memref<8x56x32xf32, #tpu.memory_space<hbm>>)
      } else {
      }
      %dma_start3A = arith.constant 0 : i32
      %dma_start3A_81 = arith.constant 0 : i32
      %dma_start3A_82 = arith.constant 0 : i32
      %dma_start3A_83 = arith.constant 0 : i32
      %dma_start3A_84 = tpu.memref_slice %arg7[%dma_start3A_81, %dma_start3A_82, %dma_start3A_83] : memref<8x112x32xf32, #tpu.memory_space<vmem>> -> memref<1x112x32xf32, #tpu.memory_space<vmem>>
      %dma_start3A_85 = tpu.memref_squeeze %dma_start3A_84 : memref<1x112x32xf32, #tpu.memory_space<vmem>> -> memref<112x32xf32, #tpu.memory_space<vmem>>
      %dma_start3A_86 = arith.constant 0 : i32
      %dma_start3A_87 = tpu.memref_slice %arg5[%dma_start3A, %dma_start3A_86] : memref<8x112xi32, #tpu.memory_space<vmem>> -> memref<1x112xi32, #tpu.memory_space<vmem>>
      %dma_start3A_88 = tpu.memref_squeeze %dma_start3A_87 : memref<1x112xi32, #tpu.memory_space<vmem>> -> memref<112xi32, #tpu.memory_space<vmem>>
      %dma_start3A_89 = arith.constant 0 : i32
      %dma_start3A_90 = arith.constant 0 : i32
      %dma_start3A_91 = tpu.memref_slice %arg3[%dma_start3A_89, %dma_start3A_90] : memref<1000000x32xf32, #tpu.memory_space<hbm>> -> memref<1000000x32xf32, #tpu.memory_space<hbm>>
      tpu.enqueue_indirect_dma source(%dma_start3A_91 : memref<1000000x32xf32, #tpu.memory_space<hbm>>) target(%dma_start3A_85 : memref<112x32xf32, #tpu.memory_space<vmem>>) offsets(%dma_start3A_88 : memref<112xi32, #tpu.memory_space<vmem>>) semaphore(%arg9 : memref<!tpu.dma_semaphore, #tpu.memory_space<semaphore_mem>>)
      %dma_start3A_92 = arith.constant 1 : i32
      %dma_start3A_93 = arith.constant 1 : i32
      %dma_start3A_94 = arith.constant 0 : i32
      %dma_start3A_95 = arith.constant 0 : i32
      %dma_start3A_96 = tpu.memref_slice %arg7[%dma_start3A_93, %dma_start3A_94, %dma_start3A_95] : memref<8x112x32xf32, #tpu.memory_space<vmem>> -> memref<1x112x32xf32, #tpu.memory_space<vmem>>
      %dma_start3A_97 = tpu.memref_squeeze %dma_start3A_96 : memref<1x112x32xf32, #tpu.memory_space<vmem>> -> memref<112x32xf32, #tpu.memory_space<vmem>>
      %dma_start3A_98 = arith.constant 0 : i32
      %dma_start3A_99 = tpu.memref_slice %arg5[%dma_start3A_92, %dma_start3A_98] : memref<8x112xi32, #tpu.memory_space<vmem>> -> memref<1x112xi32, #tpu.memory_space<vmem>>
      %dma_start3A_100 = tpu.memref_squeeze %dma_start3A_99 : memref<1x112xi32, #tpu.memory_space<vmem>> -> memref<112xi32, #tpu.memory_space<vmem>>
      %dma_start3A_101 = arith.constant 0 : i32
      %dma_start3A_102 = arith.constant 0 : i32
      %dma_start3A_103 = tpu.memref_slice %arg3[%dma_start3A_101, %dma_start3A_102] : memref<1000000x32xf32, #tpu.memory_space<hbm>> -> memref<1000000x32xf32, #tpu.memory_space<hbm>>
      tpu.enqueue_indirect_dma source(%dma_start3A_103 : memref<1000000x32xf32, #tpu.memory_space<hbm>>) target(%dma_start3A_97 : memref<112x32xf32, #tpu.memory_space<vmem>>) offsets(%dma_start3A_100 : memref<112xi32, #tpu.memory_space<vmem>>) semaphore(%arg9 : memref<!tpu.dma_semaphore, #tpu.memory_space<semaphore_mem>>)
      %dma_start3A_104 = arith.constant 2 : i32
      %dma_start3A_105 = arith.constant 2 : i32
      %dma_start3A_106 = arith.constant 0 : i32
      %dma_start3A_107 = arith.constant 0 : i32
      %dma_start3A_108 = tpu.memref_slice %arg7[%dma_start3A_105, %dma_start3A_106, %dma_start3A_107] : memref<8x112x32xf32, #tpu.memory_space<vmem>> -> memref<1x112x32xf32, #tpu.memory_space<vmem>>
      %dma_start3A_109 = tpu.memref_squeeze %dma_start3A_108 : memref<1x112x32xf32, #tpu.memory_space<vmem>> -> memref<112x32xf32, #tpu.memory_space<vmem>>
      %dma_start3A_110 = arith.constant 0 : i32
      %dma_start3A_111 = tpu.memref_slice %arg5[%dma_start3A_104, %dma_start3A_110] : memref<8x112xi32, #tpu.memory_space<vmem>> -> memref<1x112xi32, #tpu.memory_space<vmem>>
      %dma_start3A_112 = tpu.memref_squeeze %dma_start3A_111 : memref<1x112xi32, #tpu.memory_space<vmem>> -> memref<112xi32, #tpu.memory_space<vmem>>
      %dma_start3A_113 = arith.constant 0 : i32
      %dma_start3A_114 = arith.constant 0 : i32
      %dma_start3A_115 = tpu.memref_slice %arg3[%dma_start3A_113, %dma_start3A_114] : memref<1000000x32xf32, #tpu.memory_space<hbm>> -> memref<1000000x32xf32, #tpu.memory_space<hbm>>
      tpu.enqueue_indirect_dma source(%dma_start3A_115 : memref<1000000x32xf32, #tpu.memory_space<hbm>>) target(%dma_start3A_109 : memref<112x32xf32, #tpu.memory_space<vmem>>) offsets(%dma_start3A_112 : memref<112xi32, #tpu.memory_space<vmem>>) semaphore(%arg9 : memref<!tpu.dma_semaphore, #tpu.memory_space<semaphore_mem>>)
      %dma_start3A_116 = arith.constant 3 : i32
      %dma_start3A_117 = arith.constant 3 : i32
      %dma_start3A_118 = arith.constant 0 : i32
      %dma_start3A_119 = arith.constant 0 : i32
      %dma_start3A_120 = tpu.memref_slice %arg7[%dma_start3A_117, %dma_start3A_118, %dma_start3A_119] : memref<8x112x32xf32, #tpu.memory_space<vmem>> -> memref<1x112x32xf32, #tpu.memory_space<vmem>>
      %dma_start3A_121 = tpu.memref_squeeze %dma_start3A_120 : memref<1x112x32xf32, #tpu.memory_space<vmem>> -> memref<112x32xf32, #tpu.memory_space<vmem>>
      %dma_start3A_122 = arith.constant 0 : i32
      %dma_start3A_123 = tpu.memref_slice %arg5[%dma_start3A_116, %dma_start3A_122] : memref<8x112xi32, #tpu.memory_space<vmem>> -> memref<1x112xi32, #tpu.memory_space<vmem>>
      %dma_start3A_124 = tpu.memref_squeeze %dma_start3A_123 : memref<1x112xi32, #tpu.memory_space<vmem>> -> memref<112xi32, #tpu.memory_space<vmem>>
      %dma_start3A_125 = arith.constant 0 : i32
      %dma_start3A_126 = arith.constant 0 : i32
      %dma_start3A_127 = tpu.memref_slice %arg3[%dma_start3A_125, %dma_start3A_126] : memref<1000000x32xf32, #tpu.memory_space<hbm>> -> memref<1000000x32xf32, #tpu.memory_space<hbm>>
      tpu.enqueue_indirect_dma source(%dma_start3A_127 : memref<1000000x32xf32, #tpu.memory_space<hbm>>) target(%dma_start3A_121 : memref<112x32xf32, #tpu.memory_space<vmem>>) offsets(%dma_start3A_124 : memref<112xi32, #tpu.memory_space<vmem>>) semaphore(%arg9 : memref<!tpu.dma_semaphore, #tpu.memory_space<semaphore_mem>>)
      %dma_start3A_128 = arith.constant 4 : i32
      %dma_start3A_129 = arith.constant 4 : i32
      %dma_start3A_130 = arith.constant 0 : i32
      %dma_start3A_131 = arith.constant 0 : i32
      %dma_start3A_132 = tpu.memref_slice %arg7[%dma_start3A_129, %dma_start3A_130, %dma_start3A_131] : memref<8x112x32xf32, #tpu.memory_space<vmem>> -> memref<1x112x32xf32, #tpu.memory_space<vmem>>
      %dma_start3A_133 = tpu.memref_squeeze %dma_start3A_132 : memref<1x112x32xf32, #tpu.memory_space<vmem>> -> memref<112x32xf32, #tpu.memory_space<vmem>>
      %dma_start3A_134 = arith.constant 0 : i32
      %dma_start3A_135 = tpu.memref_slice %arg5[%dma_start3A_128, %dma_start3A_134] : memref<8x112xi32, #tpu.memory_space<vmem>> -> memref<1x112xi32, #tpu.memory_space<vmem>>
      %dma_start3A_136 = tpu.memref_squeeze %dma_start3A_135 : memref<1x112xi32, #tpu.memory_space<vmem>> -> memref<112xi32, #tpu.memory_space<vmem>>
      %dma_start3A_137 = arith.constant 0 : i32
      %dma_start3A_138 = arith.constant 0 : i32
      %dma_start3A_139 = tpu.memref_slice %arg3[%dma_start3A_137, %dma_start3A_138] : memref<1000000x32xf32, #tpu.memory_space<hbm>> -> memref<1000000x32xf32, #tpu.memory_space<hbm>>
      tpu.enqueue_indirect_dma source(%dma_start3A_139 : memref<1000000x32xf32, #tpu.memory_space<hbm>>) target(%dma_start3A_133 : memref<112x32xf32, #tpu.memory_space<vmem>>) offsets(%dma_start3A_136 : memref<112xi32, #tpu.memory_space<vmem>>) semaphore(%arg9 : memref<!tpu.dma_semaphore, #tpu.memory_space<semaphore_mem>>)
      %dma_start3A_140 = arith.constant 5 : i32
      %dma_start3A_141 = arith.constant 5 : i32
      %dma_start3A_142 = arith.constant 0 : i32
      %dma_start3A_143 = arith.constant 0 : i32
      %dma_start3A_144 = tpu.memref_slice %arg7[%dma_start3A_141, %dma_start3A_142, %dma_start3A_143] : memref<8x112x32xf32, #tpu.memory_space<vmem>> -> memref<1x112x32xf32, #tpu.memory_space<vmem>>
      %dma_start3A_145 = tpu.memref_squeeze %dma_start3A_144 : memref<1x112x32xf32, #tpu.memory_space<vmem>> -> memref<112x32xf32, #tpu.memory_space<vmem>>
      %dma_start3A_146 = arith.constant 0 : i32
      %dma_start3A_147 = tpu.memref_slice %arg5[%dma_start3A_140, %dma_start3A_146] : memref<8x112xi32, #tpu.memory_space<vmem>> -> memref<1x112xi32, #tpu.memory_space<vmem>>
      %dma_start3A_148 = tpu.memref_squeeze %dma_start3A_147 : memref<1x112xi32, #tpu.memory_space<vmem>> -> memref<112xi32, #tpu.memory_space<vmem>>
      %dma_start3A_149 = arith.constant 0 : i32
      %dma_start3A_150 = arith.constant 0 : i32
      %dma_start3A_151 = tpu.memref_slice %arg3[%dma_start3A_149, %dma_start3A_150] : memref<1000000x32xf32, #tpu.memory_space<hbm>> -> memref<1000000x32xf32, #tpu.memory_space<hbm>>
      tpu.enqueue_indirect_dma source(%dma_start3A_151 : memref<1000000x32xf32, #tpu.memory_space<hbm>>) target(%dma_start3A_145 : memref<112x32xf32, #tpu.memory_space<vmem>>) offsets(%dma_start3A_148 : memref<112xi32, #tpu.memory_space<vmem>>) semaphore(%arg9 : memref<!tpu.dma_semaphore, #tpu.memory_space<semaphore_mem>>)
      %dma_start3A_152 = arith.constant 6 : i32
      %dma_start3A_153 = arith.constant 6 : i32
      %dma_start3A_154 = arith.constant 0 : i32
      %dma_start3A_155 = arith.constant 0 : i32
      %dma_start3A_156 = tpu.memref_slice %arg7[%dma_start3A_153, %dma_start3A_154, %dma_start3A_155] : memref<8x112x32xf32, #tpu.memory_space<vmem>> -> memref<1x112x32xf32, #tpu.memory_space<vmem>>
      %dma_start3A_157 = tpu.memref_squeeze %dma_start3A_156 : memref<1x112x32xf32, #tpu.memory_space<vmem>> -> memref<112x32xf32, #tpu.memory_space<vmem>>
      %dma_start3A_158 = arith.constant 0 : i32
      %dma_start3A_159 = tpu.memref_slice %arg5[%dma_start3A_152, %dma_start3A_158] : memref<8x112xi32, #tpu.memory_space<vmem>> -> memref<1x112xi32, #tpu.memory_space<vmem>>
      %dma_start3A_160 = tpu.memref_squeeze %dma_start3A_159 : memref<1x112xi32, #tpu.memory_space<vmem>> -> memref<112xi32, #tpu.memory_space<vmem>>
      %dma_start3A_161 = arith.constant 0 : i32
      %dma_start3A_162 = arith.constant 0 : i32
      %dma_start3A_163 = tpu.memref_slice %arg3[%dma_start3A_161, %dma_start3A_162] : memref<1000000x32xf32, #tpu.memory_space<hbm>> -> memref<1000000x32xf32, #tpu.memory_space<hbm>>
      tpu.enqueue_indirect_dma source(%dma_start3A_163 : memref<1000000x32xf32, #tpu.memory_space<hbm>>) target(%dma_start3A_157 : memref<112x32xf32, #tpu.memory_space<vmem>>) offsets(%dma_start3A_160 : memref<112xi32, #tpu.memory_space<vmem>>) semaphore(%arg9 : memref<!tpu.dma_semaphore, #tpu.memory_space<semaphore_mem>>)
      %dma_start3A_164 = arith.constant 7 : i32
      %dma_start3A_165 = arith.constant 7 : i32
      %dma_start3A_166 = arith.constant 0 : i32
      %dma_start3A_167 = arith.constant 0 : i32
      %dma_start3A_168 = tpu.memref_slice %arg7[%dma_start3A_165, %dma_start3A_166, %dma_start3A_167] : memref<8x112x32xf32, #tpu.memory_space<vmem>> -> memref<1x112x32xf32, #tpu.memory_space<vmem>>
      %dma_start3A_169 = tpu.memref_squeeze %dma_start3A_168 : memref<1x112x32xf32, #tpu.memory_space<vmem>> -> memref<112x32xf32, #tpu.memory_space<vmem>>
      %dma_start3A_170 = arith.constant 0 : i32
      %dma_start3A_171 = tpu.memref_slice %arg5[%dma_start3A_164, %dma_start3A_170] : memref<8x112xi32, #tpu.memory_space<vmem>> -> memref<1x112xi32, #tpu.memory_space<vmem>>
      %dma_start3A_172 = tpu.memref_squeeze %dma_start3A_171 : memref<1x112xi32, #tpu.memory_space<vmem>> -> memref<112xi32, #tpu.memory_space<vmem>>
      %dma_start3A_173 = arith.constant 0 : i32
      %dma_start3A_174 = arith.constant 0 : i32
      %dma_start3A_175 = tpu.memref_slice %arg3[%dma_start3A_173, %dma_start3A_174] : memref<1000000x32xf32, #tpu.memory_space<hbm>> -> memref<1000000x32xf32, #tpu.memory_space<hbm>>
      tpu.enqueue_indirect_dma source(%dma_start3A_175 : memref<1000000x32xf32, #tpu.memory_space<hbm>>) target(%dma_start3A_169 : memref<112x32xf32, #tpu.memory_space<vmem>>) offsets(%dma_start3A_172 : memref<112xi32, #tpu.memory_space<vmem>>) semaphore(%arg9 : memref<!tpu.dma_semaphore, #tpu.memory_space<semaphore_mem>>)
      %mul3A_176 = arith.constant 16 : i32
      %mul3A_177 = arith.muli %add3A_78, %mul3A_176 : i32
      %add3A_178 = arith.addi %mul3A_2, %mul3A_177 : i32
      "tpu.region"() ({
        %run_scoped3A = tpu.sem_alloc : memref<!tpu.dma_semaphore, #tpu.memory_space<semaphore_mem>>
        %dma_start3A_550 = arith.constant 0 : i32
        %dma_start3A_551 = arith.constant 0 : i32
        %dma_start3A_552 = tpu.memref_slice %arg6[%dma_start3A_550, %dma_start3A_551] : memref<8x112xi32, #tpu.memory_space<vmem>> -> memref<8x56xi32, #tpu.memory_space<vmem>>
        %dma_start3A_553 = arith.constant 0 : i32
        %dma_start3A_554 = tpu.memref_slice %arg2[%add3A_178, %dma_start3A_553] : memref<16384x128xi32, #tpu.memory_space<hbm>> -> memref<8x56xi32, #tpu.memory_space<hbm>>
        %dma_start3A_555 = arith.constant 0 : i32
        %dma_start3A_556 = arith.constant 0 : i32
        %dma_start3A_557 = tpu.memref_slice %arg6[%dma_start3A_555, %dma_start3A_556] : memref<8x112xi32, #tpu.memory_space<vmem>> -> memref<8x56xi32, #tpu.memory_space<vmem>>
        %dma_start3A_558 = arith.constant 0 : i32
        %dma_start3A_559 = tpu.memref_slice %arg2[%add3A_178, %dma_start3A_558] : memref<16384x128xi32, #tpu.memory_space<hbm>> -> memref<8x56xi32, #tpu.memory_space<hbm>>
        tpu.enqueue_dma source(%dma_start3A_559 : memref<8x56xi32, #tpu.memory_space<hbm>>) target(%dma_start3A_557 : memref<8x56xi32, #tpu.memory_space<vmem>>) target_semaphore(%run_scoped3A : memref<!tpu.dma_semaphore, #tpu.memory_space<semaphore_mem>>)
        %dma_wait3A_560 = arith.constant 0 : i32
        %dma_wait3A_561 = arith.constant 0 : i32
        %dma_wait3A_562 = tpu.memref_slice %arg6[%dma_wait3A_560, %dma_wait3A_561] : memref<8x112xi32, #tpu.memory_space<vmem>> -> memref<8x56xi32, #tpu.memory_space<vmem>>
        %dma_wait3A_563 = arith.constant 0 : i32
        %dma_wait3A_564 = tpu.memref_slice %arg2[%add3A_178, %dma_wait3A_563] : memref<16384x128xi32, #tpu.memory_space<hbm>> -> memref<8x56xi32, #tpu.memory_space<hbm>>
        %dma_wait3A_565 = arith.constant 0 : i32
        %dma_wait3A_566 = arith.constant 0 : i32
        %dma_wait3A_567 = tpu.memref_slice %arg6[%dma_wait3A_565, %dma_wait3A_566] : memref<8x112xi32, #tpu.memory_space<vmem>> -> memref<8x56xi32, #tpu.memory_space<vmem>>
        %dma_wait3A_568 = arith.constant 0 : i32
        %dma_wait3A_569 = tpu.memref_slice %arg2[%add3A_178, %dma_wait3A_568] : memref<16384x128xi32, #tpu.memory_space<hbm>> -> memref<8x56xi32, #tpu.memory_space<hbm>>
        tpu.wait_dma2 semaphore(%run_scoped3A : memref<!tpu.dma_semaphore, #tpu.memory_space<semaphore_mem>>) src(%dma_wait3A_569 : memref<8x56xi32, #tpu.memory_space<hbm>>) dst(%dma_wait3A_567 : memref<8x56xi32, #tpu.memory_space<vmem>>)
        tpu.yield
      }) : () -> ()
      %add3A_179 = arith.constant 8 : i32
      %add3A_180 = arith.addi %add3A_178, %add3A_179 : i32
      "tpu.region"() ({
        %run_scoped3A = tpu.sem_alloc : memref<!tpu.dma_semaphore, #tpu.memory_space<semaphore_mem>>
        %dma_start3A_550 = arith.constant 0 : i32
        %dma_start3A_551 = arith.constant 56 : i32
        %dma_start3A_552 = tpu.memref_slice %arg6[%dma_start3A_550, %dma_start3A_551] : memref<8x112xi32, #tpu.memory_space<vmem>> -> memref<8x56xi32, #tpu.memory_space<vmem>>
        %dma_start3A_553 = arith.constant 0 : i32
        %dma_start3A_554 = tpu.memref_slice %arg2[%add3A_180, %dma_start3A_553] : memref<16384x128xi32, #tpu.memory_space<hbm>> -> memref<8x56xi32, #tpu.memory_space<hbm>>
        %dma_start3A_555 = arith.constant 0 : i32
        %dma_start3A_556 = arith.constant 56 : i32
        %dma_start3A_557 = tpu.memref_slice %arg6[%dma_start3A_555, %dma_start3A_556] : memref<8x112xi32, #tpu.memory_space<vmem>> -> memref<8x56xi32, #tpu.memory_space<vmem>>
        %dma_start3A_558 = arith.constant 0 : i32
        %dma_start3A_559 = tpu.memref_slice %arg2[%add3A_180, %dma_start3A_558] : memref<16384x128xi32, #tpu.memory_space<hbm>> -> memref<8x56xi32, #tpu.memory_space<hbm>>
        tpu.enqueue_dma source(%dma_start3A_559 : memref<8x56xi32, #tpu.memory_space<hbm>>) target(%dma_start3A_557 : memref<8x56xi32, #tpu.memory_space<vmem>>) target_semaphore(%run_scoped3A : memref<!tpu.dma_semaphore, #tpu.memory_space<semaphore_mem>>)
        %dma_wait3A_560 = arith.constant 0 : i32
        %dma_wait3A_561 = arith.constant 56 : i32
        %dma_wait3A_562 = tpu.memref_slice %arg6[%dma_wait3A_560, %dma_wait3A_561] : memref<8x112xi32, #tpu.memory_space<vmem>> -> memref<8x56xi32, #tpu.memory_space<vmem>>
        %dma_wait3A_563 = arith.constant 0 : i32
        %dma_wait3A_564 = tpu.memref_slice %arg2[%add3A_180, %dma_wait3A_563] : memref<16384x128xi32, #tpu.memory_space<hbm>> -> memref<8x56xi32, #tpu.memory_space<hbm>>
        %dma_wait3A_565 = arith.constant 0 : i32
        %dma_wait3A_566 = arith.constant 56 : i32
        %dma_wait3A_567 = tpu.memref_slice %arg6[%dma_wait3A_565, %dma_wait3A_566] : memref<8x112xi32, #tpu.memory_space<vmem>> -> memref<8x56xi32, #tpu.memory_space<vmem>>
        %dma_wait3A_568 = arith.constant 0 : i32
        %dma_wait3A_569 = tpu.memref_slice %arg2[%add3A_180, %dma_wait3A_568] : memref<16384x128xi32, #tpu.memory_space<hbm>> -> memref<8x56xi32, #tpu.memory_space<hbm>>
        tpu.wait_dma2 semaphore(%run_scoped3A : memref<!tpu.dma_semaphore, #tpu.memory_space<semaphore_mem>>) src(%dma_wait3A_569 : memref<8x56xi32, #tpu.memory_space<hbm>>) dst(%dma_wait3A_567 : memref<8x56xi32, #tpu.memory_space<vmem>>)
        tpu.yield
      }) : () -> ()
      %ge3A_181 = arith.constant 2 : i32
      %ge3A_182 = arith.cmpi sge, %add3A_78, %ge3A_181 : i32
      %convert_element_type3A_183 = arith.extui %ge3A_182 : i1 to i32
      %cond3A_184 = arith.constant 0 : i32
      %cond3A_185 = arith.cmpi ne, %convert_element_type3A_183, %cond3A_184 : i32
      scf.if %cond3A_185 {
        %dma_wait3A_550 = arith.constant 0 : i32
        %dma_wait3A_551 = arith.constant 0 : i32
        %dma_wait3A_552 = arith.constant 0 : i32
        %dma_wait3A_553 = tpu.memref_slice %arg8[%dma_wait3A_550, %dma_wait3A_551, %dma_wait3A_552] : memref<8x112x32xf32, #tpu.memory_space<vmem>> -> memref<8x56x32xf32, #tpu.memory_space<vmem>>
        %dma_wait3A_554 = arith.constant 0 : i32
        %dma_wait3A_555 = arith.constant 0 : i32
        %dma_wait3A_556 = arith.constant 0 : i32
        %dma_wait3A_557 = tpu.memref_slice %arg4[%dma_wait3A_554, %dma_wait3A_555, %dma_wait3A_556] : memref<16384x56x128xf32, #tpu.memory_space<hbm>> -> memref<8x56x32xf32, #tpu.memory_space<hbm>>
        %dma_wait3A_558 = arith.constant 0 : i32
        %dma_wait3A_559 = arith.constant 0 : i32
        %dma_wait3A_560 = arith.constant 0 : i32
        %dma_wait3A_561 = tpu.memref_slice %arg4[%dma_wait3A_558, %dma_wait3A_559, %dma_wait3A_560] : memref<16384x56x128xf32, #tpu.memory_space<hbm>> -> memref<8x56x32xf32, #tpu.memory_space<hbm>>
        %dma_wait3A_562 = arith.constant 0 : i32
        %dma_wait3A_563 = arith.constant 0 : i32
        %dma_wait3A_564 = arith.constant 0 : i32
        %dma_wait3A_565 = tpu.memref_slice %arg8[%dma_wait3A_562, %dma_wait3A_563, %dma_wait3A_564] : memref<8x112x32xf32, #tpu.memory_space<vmem>> -> memref<8x56x32xf32, #tpu.memory_space<vmem>>
        tpu.wait_dma2 semaphore(%arg12 : memref<!tpu.dma_semaphore, #tpu.memory_space<semaphore_mem>>) src(%dma_wait3A_565 : memref<8x56x32xf32, #tpu.memory_space<vmem>>) dst(%dma_wait3A_561 : memref<8x56x32xf32, #tpu.memory_space<hbm>>)
        %dma_wait3A_566 = arith.constant 0 : i32
        %dma_wait3A_567 = arith.constant 56 : i32
        %dma_wait3A_568 = arith.constant 0 : i32
        %dma_wait3A_569 = tpu.memref_slice %arg8[%dma_wait3A_566, %dma_wait3A_567, %dma_wait3A_568] : memref<8x112x32xf32, #tpu.memory_space<vmem>> -> memref<8x56x32xf32, #tpu.memory_space<vmem>>
        %dma_wait3A_570 = arith.constant 0 : i32
        %dma_wait3A_571 = arith.constant 0 : i32
        %dma_wait3A_572 = arith.constant 0 : i32
        %dma_wait3A_573 = tpu.memref_slice %arg4[%dma_wait3A_570, %dma_wait3A_571, %dma_wait3A_572] : memref<16384x56x128xf32, #tpu.memory_space<hbm>> -> memref<8x56x32xf32, #tpu.memory_space<hbm>>
        %dma_wait3A_574 = arith.constant 0 : i32
        %dma_wait3A_575 = arith.constant 0 : i32
        %dma_wait3A_576 = arith.constant 0 : i32
        %dma_wait3A_577 = tpu.memref_slice %arg4[%dma_wait3A_574, %dma_wait3A_575, %dma_wait3A_576] : memref<16384x56x128xf32, #tpu.memory_space<hbm>> -> memref<8x56x32xf32, #tpu.memory_space<hbm>>
        %dma_wait3A_578 = arith.constant 0 : i32
        %dma_wait3A_579 = arith.constant 56 : i32
        %dma_wait3A_580 = arith.constant 0 : i32
        %dma_wait3A_581 = tpu.memref_slice %arg8[%dma_wait3A_578, %dma_wait3A_579, %dma_wait3A_580] : memref<8x112x32xf32, #tpu.memory_space<vmem>> -> memref<8x56x32xf32, #tpu.memory_space<vmem>>
        tpu.wait_dma2 semaphore(%arg12 : memref<!tpu.dma_semaphore, #tpu.memory_space<semaphore_mem>>) src(%dma_wait3A_581 : memref<8x56x32xf32, #tpu.memory_space<vmem>>) dst(%dma_wait3A_577 : memref<8x56x32xf32, #tpu.memory_space<hbm>>)
      } else {
      }
      %dma_start3A_186 = arith.constant 0 : i32
      %dma_start3A_187 = arith.constant 0 : i32
      %dma_start3A_188 = arith.constant 0 : i32
      %dma_start3A_189 = arith.constant 0 : i32
      %dma_start3A_190 = tpu.memref_slice %arg8[%dma_start3A_187, %dma_start3A_188, %dma_start3A_189] : memref<8x112x32xf32, #tpu.memory_space<vmem>> -> memref<1x112x32xf32, #tpu.memory_space<vmem>>
      %dma_start3A_191 = tpu.memref_squeeze %dma_start3A_190 : memref<1x112x32xf32, #tpu.memory_space<vmem>> -> memref<112x32xf32, #tpu.memory_space<vmem>>
      %dma_start3A_192 = arith.constant 0 : i32
      %dma_start3A_193 = tpu.memref_slice %arg6[%dma_start3A_186, %dma_start3A_192] : memref<8x112xi32, #tpu.memory_space<vmem>> -> memref<1x112xi32, #tpu.memory_space<vmem>>
      %dma_start3A_194 = tpu.memref_squeeze %dma_start3A_193 : memref<1x112xi32, #tpu.memory_space<vmem>> -> memref<112xi32, #tpu.memory_space<vmem>>
      %dma_start3A_195 = arith.constant 0 : i32
      %dma_start3A_196 = arith.constant 0 : i32
      %dma_start3A_197 = tpu.memref_slice %arg3[%dma_start3A_195, %dma_start3A_196] : memref<1000000x32xf32, #tpu.memory_space<hbm>> -> memref<1000000x32xf32, #tpu.memory_space<hbm>>
      tpu.enqueue_indirect_dma source(%dma_start3A_197 : memref<1000000x32xf32, #tpu.memory_space<hbm>>) target(%dma_start3A_191 : memref<112x32xf32, #tpu.memory_space<vmem>>) offsets(%dma_start3A_194 : memref<112xi32, #tpu.memory_space<vmem>>) semaphore(%arg10 : memref<!tpu.dma_semaphore, #tpu.memory_space<semaphore_mem>>)
      %dma_start3A_198 = arith.constant 1 : i32
      %dma_start3A_199 = arith.constant 1 : i32
      %dma_start3A_200 = arith.constant 0 : i32
      %dma_start3A_201 = arith.constant 0 : i32
      %dma_start3A_202 = tpu.memref_slice %arg8[%dma_start3A_199, %dma_start3A_200, %dma_start3A_201] : memref<8x112x32xf32, #tpu.memory_space<vmem>> -> memref<1x112x32xf32, #tpu.memory_space<vmem>>
      %dma_start3A_203 = tpu.memref_squeeze %dma_start3A_202 : memref<1x112x32xf32, #tpu.memory_space<vmem>> -> memref<112x32xf32, #tpu.memory_space<vmem>>
      %dma_start3A_204 = arith.constant 0 : i32
      %dma_start3A_205 = tpu.memref_slice %arg6[%dma_start3A_198, %dma_start3A_204] : memref<8x112xi32, #tpu.memory_space<vmem>> -> memref<1x112xi32, #tpu.memory_space<vmem>>
      %dma_start3A_206 = tpu.memref_squeeze %dma_start3A_205 : memref<1x112xi32, #tpu.memory_space<vmem>> -> memref<112xi32, #tpu.memory_space<vmem>>
      %dma_start3A_207 = arith.constant 0 : i32
      %dma_start3A_208 = arith.constant 0 : i32
      %dma_start3A_209 = tpu.memref_slice %arg3[%dma_start3A_207, %dma_start3A_208] : memref<1000000x32xf32, #tpu.memory_space<hbm>> -> memref<1000000x32xf32, #tpu.memory_space<hbm>>
      tpu.enqueue_indirect_dma source(%dma_start3A_209 : memref<1000000x32xf32, #tpu.memory_space<hbm>>) target(%dma_start3A_203 : memref<112x32xf32, #tpu.memory_space<vmem>>) offsets(%dma_start3A_206 : memref<112xi32, #tpu.memory_space<vmem>>) semaphore(%arg10 : memref<!tpu.dma_semaphore, #tpu.memory_space<semaphore_mem>>)
      %dma_start3A_210 = arith.constant 2 : i32
      %dma_start3A_211 = arith.constant 2 : i32
      %dma_start3A_212 = arith.constant 0 : i32
      %dma_start3A_213 = arith.constant 0 : i32
      %dma_start3A_214 = tpu.memref_slice %arg8[%dma_start3A_211, %dma_start3A_212, %dma_start3A_213] : memref<8x112x32xf32, #tpu.memory_space<vmem>> -> memref<1x112x32xf32, #tpu.memory_space<vmem>>
      %dma_start3A_215 = tpu.memref_squeeze %dma_start3A_214 : memref<1x112x32xf32, #tpu.memory_space<vmem>> -> memref<112x32xf32, #tpu.memory_space<vmem>>
      %dma_start3A_216 = arith.constant 0 : i32
      %dma_start3A_217 = tpu.memref_slice %arg6[%dma_start3A_210, %dma_start3A_216] : memref<8x112xi32, #tpu.memory_space<vmem>> -> memref<1x112xi32, #tpu.memory_space<vmem>>
      %dma_start3A_218 = tpu.memref_squeeze %dma_start3A_217 : memref<1x112xi32, #tpu.memory_space<vmem>> -> memref<112xi32, #tpu.memory_space<vmem>>
      %dma_start3A_219 = arith.constant 0 : i32
      %dma_start3A_220 = arith.constant 0 : i32
      %dma_start3A_221 = tpu.memref_slice %arg3[%dma_start3A_219, %dma_start3A_220] : memref<1000000x32xf32, #tpu.memory_space<hbm>> -> memref<1000000x32xf32, #tpu.memory_space<hbm>>
      tpu.enqueue_indirect_dma source(%dma_start3A_221 : memref<1000000x32xf32, #tpu.memory_space<hbm>>) target(%dma_start3A_215 : memref<112x32xf32, #tpu.memory_space<vmem>>) offsets(%dma_start3A_218 : memref<112xi32, #tpu.memory_space<vmem>>) semaphore(%arg10 : memref<!tpu.dma_semaphore, #tpu.memory_space<semaphore_mem>>)
      %dma_start3A_222 = arith.constant 3 : i32
      %dma_start3A_223 = arith.constant 3 : i32
      %dma_start3A_224 = arith.constant 0 : i32
      %dma_start3A_225 = arith.constant 0 : i32
      %dma_start3A_226 = tpu.memref_slice %arg8[%dma_start3A_223, %dma_start3A_224, %dma_start3A_225] : memref<8x112x32xf32, #tpu.memory_space<vmem>> -> memref<1x112x32xf32, #tpu.memory_space<vmem>>
      %dma_start3A_227 = tpu.memref_squeeze %dma_start3A_226 : memref<1x112x32xf32, #tpu.memory_space<vmem>> -> memref<112x32xf32, #tpu.memory_space<vmem>>
      %dma_start3A_228 = arith.constant 0 : i32
      %dma_start3A_229 = tpu.memref_slice %arg6[%dma_start3A_222, %dma_start3A_228] : memref<8x112xi32, #tpu.memory_space<vmem>> -> memref<1x112xi32, #tpu.memory_space<vmem>>
      %dma_start3A_230 = tpu.memref_squeeze %dma_start3A_229 : memref<1x112xi32, #tpu.memory_space<vmem>> -> memref<112xi32, #tpu.memory_space<vmem>>
      %dma_start3A_231 = arith.constant 0 : i32
      %dma_start3A_232 = arith.constant 0 : i32
      %dma_start3A_233 = tpu.memref_slice %arg3[%dma_start3A_231, %dma_start3A_232] : memref<1000000x32xf32, #tpu.memory_space<hbm>> -> memref<1000000x32xf32, #tpu.memory_space<hbm>>
      tpu.enqueue_indirect_dma source(%dma_start3A_233 : memref<1000000x32xf32, #tpu.memory_space<hbm>>) target(%dma_start3A_227 : memref<112x32xf32, #tpu.memory_space<vmem>>) offsets(%dma_start3A_230 : memref<112xi32, #tpu.memory_space<vmem>>) semaphore(%arg10 : memref<!tpu.dma_semaphore, #tpu.memory_space<semaphore_mem>>)
      %dma_start3A_234 = arith.constant 4 : i32
      %dma_start3A_235 = arith.constant 4 : i32
      %dma_start3A_236 = arith.constant 0 : i32
      %dma_start3A_237 = arith.constant 0 : i32
      %dma_start3A_238 = tpu.memref_slice %arg8[%dma_start3A_235, %dma_start3A_236, %dma_start3A_237] : memref<8x112x32xf32, #tpu.memory_space<vmem>> -> memref<1x112x32xf32, #tpu.memory_space<vmem>>
      %dma_start3A_239 = tpu.memref_squeeze %dma_start3A_238 : memref<1x112x32xf32, #tpu.memory_space<vmem>> -> memref<112x32xf32, #tpu.memory_space<vmem>>
      %dma_start3A_240 = arith.constant 0 : i32
      %dma_start3A_241 = tpu.memref_slice %arg6[%dma_start3A_234, %dma_start3A_240] : memref<8x112xi32, #tpu.memory_space<vmem>> -> memref<1x112xi32, #tpu.memory_space<vmem>>
      %dma_start3A_242 = tpu.memref_squeeze %dma_start3A_241 : memref<1x112xi32, #tpu.memory_space<vmem>> -> memref<112xi32, #tpu.memory_space<vmem>>
      %dma_start3A_243 = arith.constant 0 : i32
      %dma_start3A_244 = arith.constant 0 : i32
      %dma_start3A_245 = tpu.memref_slice %arg3[%dma_start3A_243, %dma_start3A_244] : memref<1000000x32xf32, #tpu.memory_space<hbm>> -> memref<1000000x32xf32, #tpu.memory_space<hbm>>
      tpu.enqueue_indirect_dma source(%dma_start3A_245 : memref<1000000x32xf32, #tpu.memory_space<hbm>>) target(%dma_start3A_239 : memref<112x32xf32, #tpu.memory_space<vmem>>) offsets(%dma_start3A_242 : memref<112xi32, #tpu.memory_space<vmem>>) semaphore(%arg10 : memref<!tpu.dma_semaphore, #tpu.memory_space<semaphore_mem>>)
      %dma_start3A_246 = arith.constant 5 : i32
      %dma_start3A_247 = arith.constant 5 : i32
      %dma_start3A_248 = arith.constant 0 : i32
      %dma_start3A_249 = arith.constant 0 : i32
      %dma_start3A_250 = tpu.memref_slice %arg8[%dma_start3A_247, %dma_start3A_248, %dma_start3A_249] : memref<8x112x32xf32, #tpu.memory_space<vmem>> -> memref<1x112x32xf32, #tpu.memory_space<vmem>>
      %dma_start3A_251 = tpu.memref_squeeze %dma_start3A_250 : memref<1x112x32xf32, #tpu.memory_space<vmem>> -> memref<112x32xf32, #tpu.memory_space<vmem>>
      %dma_start3A_252 = arith.constant 0 : i32
      %dma_start3A_253 = tpu.memref_slice %arg6[%dma_start3A_246, %dma_start3A_252] : memref<8x112xi32, #tpu.memory_space<vmem>> -> memref<1x112xi32, #tpu.memory_space<vmem>>
      %dma_start3A_254 = tpu.memref_squeeze %dma_start3A_253 : memref<1x112xi32, #tpu.memory_space<vmem>> -> memref<112xi32, #tpu.memory_space<vmem>>
      %dma_start3A_255 = arith.constant 0 : i32
      %dma_start3A_256 = arith.constant 0 : i32
      %dma_start3A_257 = tpu.memref_slice %arg3[%dma_start3A_255, %dma_start3A_256] : memref<1000000x32xf32, #tpu.memory_space<hbm>> -> memref<1000000x32xf32, #tpu.memory_space<hbm>>
      tpu.enqueue_indirect_dma source(%dma_start3A_257 : memref<1000000x32xf32, #tpu.memory_space<hbm>>) target(%dma_start3A_251 : memref<112x32xf32, #tpu.memory_space<vmem>>) offsets(%dma_start3A_254 : memref<112xi32, #tpu.memory_space<vmem>>) semaphore(%arg10 : memref<!tpu.dma_semaphore, #tpu.memory_space<semaphore_mem>>)
      %dma_start3A_258 = arith.constant 6 : i32
      %dma_start3A_259 = arith.constant 6 : i32
      %dma_start3A_260 = arith.constant 0 : i32
      %dma_start3A_261 = arith.constant 0 : i32
      %dma_start3A_262 = tpu.memref_slice %arg8[%dma_start3A_259, %dma_start3A_260, %dma_start3A_261] : memref<8x112x32xf32, #tpu.memory_space<vmem>> -> memref<1x112x32xf32, #tpu.memory_space<vmem>>
      %dma_start3A_263 = tpu.memref_squeeze %dma_start3A_262 : memref<1x112x32xf32, #tpu.memory_space<vmem>> -> memref<112x32xf32, #tpu.memory_space<vmem>>
      %dma_start3A_264 = arith.constant 0 : i32
      %dma_start3A_265 = tpu.memref_slice %arg6[%dma_start3A_258, %dma_start3A_264] : memref<8x112xi32, #tpu.memory_space<vmem>> -> memref<1x112xi32, #tpu.memory_space<vmem>>
      %dma_start3A_266 = tpu.memref_squeeze %dma_start3A_265 : memref<1x112xi32, #tpu.memory_space<vmem>> -> memref<112xi32, #tpu.memory_space<vmem>>
      %dma_start3A_267 = arith.constant 0 : i32
      %dma_start3A_268 = arith.constant 0 : i32
      %dma_start3A_269 = tpu.memref_slice %arg3[%dma_start3A_267, %dma_start3A_268] : memref<1000000x32xf32, #tpu.memory_space<hbm>> -> memref<1000000x32xf32, #tpu.memory_space<hbm>>
      tpu.enqueue_indirect_dma source(%dma_start3A_269 : memref<1000000x32xf32, #tpu.memory_space<hbm>>) target(%dma_start3A_263 : memref<112x32xf32, #tpu.memory_space<vmem>>) offsets(%dma_start3A_266 : memref<112xi32, #tpu.memory_space<vmem>>) semaphore(%arg10 : memref<!tpu.dma_semaphore, #tpu.memory_space<semaphore_mem>>)
      %dma_start3A_270 = arith.constant 7 : i32
      %dma_start3A_271 = arith.constant 7 : i32
      %dma_start3A_272 = arith.constant 0 : i32
      %dma_start3A_273 = arith.constant 0 : i32
      %dma_start3A_274 = tpu.memref_slice %arg8[%dma_start3A_271, %dma_start3A_272, %dma_start3A_273] : memref<8x112x32xf32, #tpu.memory_space<vmem>> -> memref<1x112x32xf32, #tpu.memory_space<vmem>>
      %dma_start3A_275 = tpu.memref_squeeze %dma_start3A_274 : memref<1x112x32xf32, #tpu.memory_space<vmem>> -> memref<112x32xf32, #tpu.memory_space<vmem>>
      %dma_start3A_276 = arith.constant 0 : i32
      %dma_start3A_277 = tpu.memref_slice %arg6[%dma_start3A_270, %dma_start3A_276] : memref<8x112xi32, #tpu.memory_space<vmem>> -> memref<1x112xi32, #tpu.memory_space<vmem>>
      %dma_start3A_278 = tpu.memref_squeeze %dma_start3A_277 : memref<1x112xi32, #tpu.memory_space<vmem>> -> memref<112xi32, #tpu.memory_space<vmem>>
      %dma_start3A_279 = arith.constant 0 : i32
      %dma_start3A_280 = arith.constant 0 : i32
      %dma_start3A_281 = tpu.memref_slice %arg3[%dma_start3A_279, %dma_start3A_280] : memref<1000000x32xf32, #tpu.memory_space<hbm>> -> memref<1000000x32xf32, #tpu.memory_space<hbm>>
      tpu.enqueue_indirect_dma source(%dma_start3A_281 : memref<1000000x32xf32, #tpu.memory_space<hbm>>) target(%dma_start3A_275 : memref<112x32xf32, #tpu.memory_space<vmem>>) offsets(%dma_start3A_278 : memref<112xi32, #tpu.memory_space<vmem>>) semaphore(%arg10 : memref<!tpu.dma_semaphore, #tpu.memory_space<semaphore_mem>>)
      %add3A_282 = arith.constant 2 : i32
      %add3A_283 = arith.addi %mul3A_76, %add3A_282 : i32
      %lt3A = arith.constant 32 : i32
      %lt3A_284 = arith.cmpi slt, %add3A_283, %lt3A : i32
      %convert_element_type3A_285 = arith.extui %lt3A_284 : i1 to i32
      %cond3A_286 = arith.constant 0 : i32
      %cond3A_287 = arith.cmpi ne, %convert_element_type3A_285, %cond3A_286 : i32
      scf.if %cond3A_287 {
        %add3A_550 = arith.constant 2 : i32
        %add3A_551 = arith.addi %mul3A_76, %add3A_550 : i32
        %mul3A_552 = arith.constant 16 : i32
        %mul3A_553 = arith.muli %add3A_551, %mul3A_552 : i32
        %add3A_554 = arith.addi %mul3A_2, %mul3A_553 : i32
        "tpu.region"() ({
          %run_scoped3A = tpu.sem_alloc : memref<!tpu.dma_semaphore, #tpu.memory_space<semaphore_mem>>
          %dma_start3A_557 = arith.constant 0 : i32
          %dma_start3A_558 = arith.constant 0 : i32
          %dma_start3A_559 = tpu.memref_slice %arg5[%dma_start3A_557, %dma_start3A_558] : memref<8x112xi32, #tpu.memory_space<vmem>> -> memref<8x56xi32, #tpu.memory_space<vmem>>
          %dma_start3A_560 = arith.constant 0 : i32
          %dma_start3A_561 = tpu.memref_slice %arg2[%add3A_554, %dma_start3A_560] : memref<16384x128xi32, #tpu.memory_space<hbm>> -> memref<8x56xi32, #tpu.memory_space<hbm>>
          %dma_start3A_562 = arith.constant 0 : i32
          %dma_start3A_563 = arith.constant 0 : i32
          %dma_start3A_564 = tpu.memref_slice %arg5[%dma_start3A_562, %dma_start3A_563] : memref<8x112xi32, #tpu.memory_space<vmem>> -> memref<8x56xi32, #tpu.memory_space<vmem>>
          %dma_start3A_565 = arith.constant 0 : i32
          %dma_start3A_566 = tpu.memref_slice %arg2[%add3A_554, %dma_start3A_565] : memref<16384x128xi32, #tpu.memory_space<hbm>> -> memref<8x56xi32, #tpu.memory_space<hbm>>
          tpu.enqueue_dma source(%dma_start3A_566 : memref<8x56xi32, #tpu.memory_space<hbm>>) target(%dma_start3A_564 : memref<8x56xi32, #tpu.memory_space<vmem>>) target_semaphore(%run_scoped3A : memref<!tpu.dma_semaphore, #tpu.memory_space<semaphore_mem>>)
          %dma_wait3A_567 = arith.constant 0 : i32
          %dma_wait3A_568 = arith.constant 0 : i32
          %dma_wait3A_569 = tpu.memref_slice %arg5[%dma_wait3A_567, %dma_wait3A_568] : memref<8x112xi32, #tpu.memory_space<vmem>> -> memref<8x56xi32, #tpu.memory_space<vmem>>
          %dma_wait3A_570 = arith.constant 0 : i32
          %dma_wait3A_571 = tpu.memref_slice %arg2[%add3A_554, %dma_wait3A_570] : memref<16384x128xi32, #tpu.memory_space<hbm>> -> memref<8x56xi32, #tpu.memory_space<hbm>>
          %dma_wait3A_572 = arith.constant 0 : i32
          %dma_wait3A_573 = arith.constant 0 : i32
          %dma_wait3A_574 = tpu.memref_slice %arg5[%dma_wait3A_572, %dma_wait3A_573] : memref<8x112xi32, #tpu.memory_space<vmem>> -> memref<8x56xi32, #tpu.memory_space<vmem>>
          %dma_wait3A_575 = arith.constant 0 : i32
          %dma_wait3A_576 = tpu.memref_slice %arg2[%add3A_554, %dma_wait3A_575] : memref<16384x128xi32, #tpu.memory_space<hbm>> -> memref<8x56xi32, #tpu.memory_space<hbm>>
          tpu.wait_dma2 semaphore(%run_scoped3A : memref<!tpu.dma_semaphore, #tpu.memory_space<semaphore_mem>>) src(%dma_wait3A_576 : memref<8x56xi32, #tpu.memory_space<hbm>>) dst(%dma_wait3A_574 : memref<8x56xi32, #tpu.memory_space<vmem>>)
          tpu.yield
        }) : () -> ()
        %add3A_555 = arith.constant 8 : i32
        %add3A_556 = arith.addi %add3A_554, %add3A_555 : i32
        "tpu.region"() ({
          %run_scoped3A = tpu.sem_alloc : memref<!tpu.dma_semaphore, #tpu.memory_space<semaphore_mem>>
          %dma_start3A_557 = arith.constant 0 : i32
          %dma_start3A_558 = arith.constant 56 : i32
          %dma_start3A_559 = tpu.memref_slice %arg5[%dma_start3A_557, %dma_start3A_558] : memref<8x112xi32, #tpu.memory_space<vmem>> -> memref<8x56xi32, #tpu.memory_space<vmem>>
          %dma_start3A_560 = arith.constant 0 : i32
          %dma_start3A_561 = tpu.memref_slice %arg2[%add3A_556, %dma_start3A_560] : memref<16384x128xi32, #tpu.memory_space<hbm>> -> memref<8x56xi32, #tpu.memory_space<hbm>>
          %dma_start3A_562 = arith.constant 0 : i32
          %dma_start3A_563 = arith.constant 56 : i32
          %dma_start3A_564 = tpu.memref_slice %arg5[%dma_start3A_562, %dma_start3A_563] : memref<8x112xi32, #tpu.memory_space<vmem>> -> memref<8x56xi32, #tpu.memory_space<vmem>>
          %dma_start3A_565 = arith.constant 0 : i32
          %dma_start3A_566 = tpu.memref_slice %arg2[%add3A_556, %dma_start3A_565] : memref<16384x128xi32, #tpu.memory_space<hbm>> -> memref<8x56xi32, #tpu.memory_space<hbm>>
          tpu.enqueue_dma source(%dma_start3A_566 : memref<8x56xi32, #tpu.memory_space<hbm>>) target(%dma_start3A_564 : memref<8x56xi32, #tpu.memory_space<vmem>>) target_semaphore(%run_scoped3A : memref<!tpu.dma_semaphore, #tpu.memory_space<semaphore_mem>>)
          %dma_wait3A_567 = arith.constant 0 : i32
          %dma_wait3A_568 = arith.constant 56 : i32
          %dma_wait3A_569 = tpu.memref_slice %arg5[%dma_wait3A_567, %dma_wait3A_568] : memref<8x112xi32, #tpu.memory_space<vmem>> -> memref<8x56xi32, #tpu.memory_space<vmem>>
          %dma_wait3A_570 = arith.constant 0 : i32
          %dma_wait3A_571 = tpu.memref_slice %arg2[%add3A_556, %dma_wait3A_570] : memref<16384x128xi32, #tpu.memory_space<hbm>> -> memref<8x56xi32, #tpu.memory_space<hbm>>
          %dma_wait3A_572 = arith.constant 0 : i32
          %dma_wait3A_573 = arith.constant 56 : i32
          %dma_wait3A_574 = tpu.memref_slice %arg5[%dma_wait3A_572, %dma_wait3A_573] : memref<8x112xi32, #tpu.memory_space<vmem>> -> memref<8x56xi32, #tpu.memory_space<vmem>>
          %dma_wait3A_575 = arith.constant 0 : i32
          %dma_wait3A_576 = tpu.memref_slice %arg2[%add3A_556, %dma_wait3A_575] : memref<16384x128xi32, #tpu.memory_space<hbm>> -> memref<8x56xi32, #tpu.memory_space<hbm>>
          tpu.wait_dma2 semaphore(%run_scoped3A : memref<!tpu.dma_semaphore, #tpu.memory_space<semaphore_mem>>) src(%dma_wait3A_576 : memref<8x56xi32, #tpu.memory_space<hbm>>) dst(%dma_wait3A_574 : memref<8x56xi32, #tpu.memory_space<vmem>>)
          tpu.yield
        }) : () -> ()
      } else {
      }
      %dma_wait3A_288 = arith.constant 0 : i32
      %dma_wait3A_289 = arith.constant 0 : i32
      %dma_wait3A_290 = arith.constant 0 : i32
      %dma_wait3A_291 = arith.constant 0 : i32
      %dma_wait3A_292 = tpu.memref_slice %arg7[%dma_wait3A_289, %dma_wait3A_290, %dma_wait3A_291] : memref<8x112x32xf32, #tpu.memory_space<vmem>> -> memref<1x112x32xf32, #tpu.memory_space<vmem>>
      %dma_wait3A_293 = tpu.memref_squeeze %dma_wait3A_292 : memref<1x112x32xf32, #tpu.memory_space<vmem>> -> memref<112x32xf32, #tpu.memory_space<vmem>>
      %dma_wait3A_294 = arith.constant 0 : i32
      %dma_wait3A_295 = tpu.memref_slice %arg5[%dma_wait3A_288, %dma_wait3A_294] : memref<8x112xi32, #tpu.memory_space<vmem>> -> memref<1x112xi32, #tpu.memory_space<vmem>>
      %dma_wait3A_296 = tpu.memref_squeeze %dma_wait3A_295 : memref<1x112xi32, #tpu.memory_space<vmem>> -> memref<112xi32, #tpu.memory_space<vmem>>
      %dma_wait3A_297 = arith.constant 0 : i32
      %dma_wait3A_298 = arith.constant 0 : i32
      %dma_wait3A_299 = tpu.memref_slice %arg3[%dma_wait3A_297, %dma_wait3A_298] : memref<1000000x32xf32, #tpu.memory_space<hbm>> -> memref<1000000x32xf32, #tpu.memory_space<hbm>>
      tpu.wait_indirect_dma semaphore(%arg9 : memref<!tpu.dma_semaphore, #tpu.memory_space<semaphore_mem>>) src(%dma_wait3A_299 : memref<1000000x32xf32, #tpu.memory_space<hbm>>) dst(%dma_wait3A_293 : memref<112x32xf32, #tpu.memory_space<vmem>>)
      %dma_wait3A_300 = arith.constant 1 : i32
      %dma_wait3A_301 = arith.constant 1 : i32
      %dma_wait3A_302 = arith.constant 0 : i32
      %dma_wait3A_303 = arith.constant 0 : i32
      %dma_wait3A_304 = tpu.memref_slice %arg7[%dma_wait3A_301, %dma_wait3A_302, %dma_wait3A_303] : memref<8x112x32xf32, #tpu.memory_space<vmem>> -> memref<1x112x32xf32, #tpu.memory_space<vmem>>
      %dma_wait3A_305 = tpu.memref_squeeze %dma_wait3A_304 : memref<1x112x32xf32, #tpu.memory_space<vmem>> -> memref<112x32xf32, #tpu.memory_space<vmem>>
      %dma_wait3A_306 = arith.constant 0 : i32
      %dma_wait3A_307 = tpu.memref_slice %arg5[%dma_wait3A_300, %dma_wait3A_306] : memref<8x112xi32, #tpu.memory_space<vmem>> -> memref<1x112xi32, #tpu.memory_space<vmem>>
      %dma_wait3A_308 = tpu.memref_squeeze %dma_wait3A_307 : memref<1x112xi32, #tpu.memory_space<vmem>> -> memref<112xi32, #tpu.memory_space<vmem>>
      %dma_wait3A_309 = arith.constant 0 : i32
      %dma_wait3A_310 = arith.constant 0 : i32
      %dma_wait3A_311 = tpu.memref_slice %arg3[%dma_wait3A_309, %dma_wait3A_310] : memref<1000000x32xf32, #tpu.memory_space<hbm>> -> memref<1000000x32xf32, #tpu.memory_space<hbm>>
      tpu.wait_indirect_dma semaphore(%arg9 : memref<!tpu.dma_semaphore, #tpu.memory_space<semaphore_mem>>) src(%dma_wait3A_311 : memref<1000000x32xf32, #tpu.memory_space<hbm>>) dst(%dma_wait3A_305 : memref<112x32xf32, #tpu.memory_space<vmem>>)
      %dma_wait3A_312 = arith.constant 2 : i32
      %dma_wait3A_313 = arith.constant 2 : i32
      %dma_wait3A_314 = arith.constant 0 : i32
      %dma_wait3A_315 = arith.constant 0 : i32
      %dma_wait3A_316 = tpu.memref_slice %arg7[%dma_wait3A_313, %dma_wait3A_314, %dma_wait3A_315] : memref<8x112x32xf32, #tpu.memory_space<vmem>> -> memref<1x112x32xf32, #tpu.memory_space<vmem>>
      %dma_wait3A_317 = tpu.memref_squeeze %dma_wait3A_316 : memref<1x112x32xf32, #tpu.memory_space<vmem>> -> memref<112x32xf32, #tpu.memory_space<vmem>>
      %dma_wait3A_318 = arith.constant 0 : i32
      %dma_wait3A_319 = tpu.memref_slice %arg5[%dma_wait3A_312, %dma_wait3A_318] : memref<8x112xi32, #tpu.memory_space<vmem>> -> memref<1x112xi32, #tpu.memory_space<vmem>>
      %dma_wait3A_320 = tpu.memref_squeeze %dma_wait3A_319 : memref<1x112xi32, #tpu.memory_space<vmem>> -> memref<112xi32, #tpu.memory_space<vmem>>
      %dma_wait3A_321 = arith.constant 0 : i32
      %dma_wait3A_322 = arith.constant 0 : i32
      %dma_wait3A_323 = tpu.memref_slice %arg3[%dma_wait3A_321, %dma_wait3A_322] : memref<1000000x32xf32, #tpu.memory_space<hbm>> -> memref<1000000x32xf32, #tpu.memory_space<hbm>>
      tpu.wait_indirect_dma semaphore(%arg9 : memref<!tpu.dma_semaphore, #tpu.memory_space<semaphore_mem>>) src(%dma_wait3A_323 : memref<1000000x32xf32, #tpu.memory_space<hbm>>) dst(%dma_wait3A_317 : memref<112x32xf32, #tpu.memory_space<vmem>>)
      %dma_wait3A_324 = arith.constant 3 : i32
      %dma_wait3A_325 = arith.constant 3 : i32
      %dma_wait3A_326 = arith.constant 0 : i32
      %dma_wait3A_327 = arith.constant 0 : i32
      %dma_wait3A_328 = tpu.memref_slice %arg7[%dma_wait3A_325, %dma_wait3A_326, %dma_wait3A_327] : memref<8x112x32xf32, #tpu.memory_space<vmem>> -> memref<1x112x32xf32, #tpu.memory_space<vmem>>
      %dma_wait3A_329 = tpu.memref_squeeze %dma_wait3A_328 : memref<1x112x32xf32, #tpu.memory_space<vmem>> -> memref<112x32xf32, #tpu.memory_space<vmem>>
      %dma_wait3A_330 = arith.constant 0 : i32
      %dma_wait3A_331 = tpu.memref_slice %arg5[%dma_wait3A_324, %dma_wait3A_330] : memref<8x112xi32, #tpu.memory_space<vmem>> -> memref<1x112xi32, #tpu.memory_space<vmem>>
      %dma_wait3A_332 = tpu.memref_squeeze %dma_wait3A_331 : memref<1x112xi32, #tpu.memory_space<vmem>> -> memref<112xi32, #tpu.memory_space<vmem>>
      %dma_wait3A_333 = arith.constant 0 : i32
      %dma_wait3A_334 = arith.constant 0 : i32
      %dma_wait3A_335 = tpu.memref_slice %arg3[%dma_wait3A_333, %dma_wait3A_334] : memref<1000000x32xf32, #tpu.memory_space<hbm>> -> memref<1000000x32xf32, #tpu.memory_space<hbm>>
      tpu.wait_indirect_dma semaphore(%arg9 : memref<!tpu.dma_semaphore, #tpu.memory_space<semaphore_mem>>) src(%dma_wait3A_335 : memref<1000000x32xf32, #tpu.memory_space<hbm>>) dst(%dma_wait3A_329 : memref<112x32xf32, #tpu.memory_space<vmem>>)
      %dma_wait3A_336 = arith.constant 4 : i32
      %dma_wait3A_337 = arith.constant 4 : i32
      %dma_wait3A_338 = arith.constant 0 : i32
      %dma_wait3A_339 = arith.constant 0 : i32
      %dma_wait3A_340 = tpu.memref_slice %arg7[%dma_wait3A_337, %dma_wait3A_338, %dma_wait3A_339] : memref<8x112x32xf32, #tpu.memory_space<vmem>> -> memref<1x112x32xf32, #tpu.memory_space<vmem>>
      %dma_wait3A_341 = tpu.memref_squeeze %dma_wait3A_340 : memref<1x112x32xf32, #tpu.memory_space<vmem>> -> memref<112x32xf32, #tpu.memory_space<vmem>>
      %dma_wait3A_342 = arith.constant 0 : i32
      %dma_wait3A_343 = tpu.memref_slice %arg5[%dma_wait3A_336, %dma_wait3A_342] : memref<8x112xi32, #tpu.memory_space<vmem>> -> memref<1x112xi32, #tpu.memory_space<vmem>>
      %dma_wait3A_344 = tpu.memref_squeeze %dma_wait3A_343 : memref<1x112xi32, #tpu.memory_space<vmem>> -> memref<112xi32, #tpu.memory_space<vmem>>
      %dma_wait3A_345 = arith.constant 0 : i32
      %dma_wait3A_346 = arith.constant 0 : i32
      %dma_wait3A_347 = tpu.memref_slice %arg3[%dma_wait3A_345, %dma_wait3A_346] : memref<1000000x32xf32, #tpu.memory_space<hbm>> -> memref<1000000x32xf32, #tpu.memory_space<hbm>>
      tpu.wait_indirect_dma semaphore(%arg9 : memref<!tpu.dma_semaphore, #tpu.memory_space<semaphore_mem>>) src(%dma_wait3A_347 : memref<1000000x32xf32, #tpu.memory_space<hbm>>) dst(%dma_wait3A_341 : memref<112x32xf32, #tpu.memory_space<vmem>>)
      %dma_wait3A_348 = arith.constant 5 : i32
      %dma_wait3A_349 = arith.constant 5 : i32
      %dma_wait3A_350 = arith.constant 0 : i32
      %dma_wait3A_351 = arith.constant 0 : i32
      %dma_wait3A_352 = tpu.memref_slice %arg7[%dma_wait3A_349, %dma_wait3A_350, %dma_wait3A_351] : memref<8x112x32xf32, #tpu.memory_space<vmem>> -> memref<1x112x32xf32, #tpu.memory_space<vmem>>
      %dma_wait3A_353 = tpu.memref_squeeze %dma_wait3A_352 : memref<1x112x32xf32, #tpu.memory_space<vmem>> -> memref<112x32xf32, #tpu.memory_space<vmem>>
      %dma_wait3A_354 = arith.constant 0 : i32
      %dma_wait3A_355 = tpu.memref_slice %arg5[%dma_wait3A_348, %dma_wait3A_354] : memref<8x112xi32, #tpu.memory_space<vmem>> -> memref<1x112xi32, #tpu.memory_space<vmem>>
      %dma_wait3A_356 = tpu.memref_squeeze %dma_wait3A_355 : memref<1x112xi32, #tpu.memory_space<vmem>> -> memref<112xi32, #tpu.memory_space<vmem>>
      %dma_wait3A_357 = arith.constant 0 : i32
      %dma_wait3A_358 = arith.constant 0 : i32
      %dma_wait3A_359 = tpu.memref_slice %arg3[%dma_wait3A_357, %dma_wait3A_358] : memref<1000000x32xf32, #tpu.memory_space<hbm>> -> memref<1000000x32xf32, #tpu.memory_space<hbm>>
      tpu.wait_indirect_dma semaphore(%arg9 : memref<!tpu.dma_semaphore, #tpu.memory_space<semaphore_mem>>) src(%dma_wait3A_359 : memref<1000000x32xf32, #tpu.memory_space<hbm>>) dst(%dma_wait3A_353 : memref<112x32xf32, #tpu.memory_space<vmem>>)
      %dma_wait3A_360 = arith.constant 6 : i32
      %dma_wait3A_361 = arith.constant 6 : i32
      %dma_wait3A_362 = arith.constant 0 : i32
      %dma_wait3A_363 = arith.constant 0 : i32
      %dma_wait3A_364 = tpu.memref_slice %arg7[%dma_wait3A_361, %dma_wait3A_362, %dma_wait3A_363] : memref<8x112x32xf32, #tpu.memory_space<vmem>> -> memref<1x112x32xf32, #tpu.memory_space<vmem>>
      %dma_wait3A_365 = tpu.memref_squeeze %dma_wait3A_364 : memref<1x112x32xf32, #tpu.memory_space<vmem>> -> memref<112x32xf32, #tpu.memory_space<vmem>>
      %dma_wait3A_366 = arith.constant 0 : i32
      %dma_wait3A_367 = tpu.memref_slice %arg5[%dma_wait3A_360, %dma_wait3A_366] : memref<8x112xi32, #tpu.memory_space<vmem>> -> memref<1x112xi32, #tpu.memory_space<vmem>>
      %dma_wait3A_368 = tpu.memref_squeeze %dma_wait3A_367 : memref<1x112xi32, #tpu.memory_space<vmem>> -> memref<112xi32, #tpu.memory_space<vmem>>
      %dma_wait3A_369 = arith.constant 0 : i32
      %dma_wait3A_370 = arith.constant 0 : i32
      %dma_wait3A_371 = tpu.memref_slice %arg3[%dma_wait3A_369, %dma_wait3A_370] : memref<1000000x32xf32, #tpu.memory_space<hbm>> -> memref<1000000x32xf32, #tpu.memory_space<hbm>>
      tpu.wait_indirect_dma semaphore(%arg9 : memref<!tpu.dma_semaphore, #tpu.memory_space<semaphore_mem>>) src(%dma_wait3A_371 : memref<1000000x32xf32, #tpu.memory_space<hbm>>) dst(%dma_wait3A_365 : memref<112x32xf32, #tpu.memory_space<vmem>>)
      %dma_wait3A_372 = arith.constant 7 : i32
      %dma_wait3A_373 = arith.constant 7 : i32
      %dma_wait3A_374 = arith.constant 0 : i32
      %dma_wait3A_375 = arith.constant 0 : i32
      %dma_wait3A_376 = tpu.memref_slice %arg7[%dma_wait3A_373, %dma_wait3A_374, %dma_wait3A_375] : memref<8x112x32xf32, #tpu.memory_space<vmem>> -> memref<1x112x32xf32, #tpu.memory_space<vmem>>
      %dma_wait3A_377 = tpu.memref_squeeze %dma_wait3A_376 : memref<1x112x32xf32, #tpu.memory_space<vmem>> -> memref<112x32xf32, #tpu.memory_space<vmem>>
      %dma_wait3A_378 = arith.constant 0 : i32
      %dma_wait3A_379 = tpu.memref_slice %arg5[%dma_wait3A_372, %dma_wait3A_378] : memref<8x112xi32, #tpu.memory_space<vmem>> -> memref<1x112xi32, #tpu.memory_space<vmem>>
      %dma_wait3A_380 = tpu.memref_squeeze %dma_wait3A_379 : memref<1x112xi32, #tpu.memory_space<vmem>> -> memref<112xi32, #tpu.memory_space<vmem>>
      %dma_wait3A_381 = arith.constant 0 : i32
      %dma_wait3A_382 = arith.constant 0 : i32
      %dma_wait3A_383 = tpu.memref_slice %arg3[%dma_wait3A_381, %dma_wait3A_382] : memref<1000000x32xf32, #tpu.memory_space<hbm>> -> memref<1000000x32xf32, #tpu.memory_space<hbm>>
      tpu.wait_indirect_dma semaphore(%arg9 : memref<!tpu.dma_semaphore, #tpu.memory_space<semaphore_mem>>) src(%dma_wait3A_383 : memref<1000000x32xf32, #tpu.memory_space<hbm>>) dst(%dma_wait3A_377 : memref<112x32xf32, #tpu.memory_space<vmem>>)
      %mul3A_384 = arith.constant 16 : i32
      %mul3A_385 = arith.muli %mul3A_76, %mul3A_384 : i32
      %add3A_386 = arith.addi %mul3A_2, %mul3A_385 : i32
      %add3A_387 = arith.constant 0 : i32
      %add3A_388 = arith.addi %add3A_386, %add3A_387 : i32
      %dma_start3A_389 = arith.constant 0 : i32
      %dma_start3A_390 = arith.constant 0 : i32
      %dma_start3A_391 = arith.constant 0 : i32
      %dma_start3A_392 = tpu.memref_slice %arg7[%dma_start3A_389, %dma_start3A_390, %dma_start3A_391] : memref<8x112x32xf32, #tpu.memory_space<vmem>> -> memref<8x56x32xf32, #tpu.memory_space<vmem>>
      %dma_start3A_393 = arith.constant 0 : i32
      %dma_start3A_394 = arith.constant 0 : i32
      %dma_start3A_395 = tpu.memref_slice %arg4[%add3A_388, %dma_start3A_393, %dma_start3A_394] : memref<16384x56x128xf32, #tpu.memory_space<hbm>> -> memref<8x56x32xf32, #tpu.memory_space<hbm>>
      %dma_start3A_396 = arith.constant 0 : i32
      %dma_start3A_397 = arith.constant 0 : i32
      %dma_start3A_398 = tpu.memref_slice %arg4[%add3A_388, %dma_start3A_396, %dma_start3A_397] : memref<16384x56x128xf32, #tpu.memory_space<hbm>> -> memref<8x56x32xf32, #tpu.memory_space<hbm>>
      %dma_start3A_399 = arith.constant 0 : i32
      %dma_start3A_400 = arith.constant 0 : i32
      %dma_start3A_401 = arith.constant 0 : i32
      %dma_start3A_402 = tpu.memref_slice %arg7[%dma_start3A_399, %dma_start3A_400, %dma_start3A_401] : memref<8x112x32xf32, #tpu.memory_space<vmem>> -> memref<8x56x32xf32, #tpu.memory_space<vmem>>
      tpu.enqueue_dma source(%dma_start3A_402 : memref<8x56x32xf32, #tpu.memory_space<vmem>>) target(%dma_start3A_398 : memref<8x56x32xf32, #tpu.memory_space<hbm>>) target_semaphore(%arg11 : memref<!tpu.dma_semaphore, #tpu.memory_space<semaphore_mem>>)
      %add3A_403 = arith.constant 8 : i32
      %add3A_404 = arith.addi %add3A_386, %add3A_403 : i32
      %dma_start3A_405 = arith.constant 0 : i32
      %dma_start3A_406 = arith.constant 56 : i32
      %dma_start3A_407 = arith.constant 0 : i32
      %dma_start3A_408 = tpu.memref_slice %arg7[%dma_start3A_405, %dma_start3A_406, %dma_start3A_407] : memref<8x112x32xf32, #tpu.memory_space<vmem>> -> memref<8x56x32xf32, #tpu.memory_space<vmem>>
      %dma_start3A_409 = arith.constant 0 : i32
      %dma_start3A_410 = arith.constant 0 : i32
      %dma_start3A_411 = tpu.memref_slice %arg4[%add3A_404, %dma_start3A_409, %dma_start3A_410] : memref<16384x56x128xf32, #tpu.memory_space<hbm>> -> memref<8x56x32xf32, #tpu.memory_space<hbm>>
      %dma_start3A_412 = arith.constant 0 : i32
      %dma_start3A_413 = arith.constant 0 : i32
      %dma_start3A_414 = tpu.memref_slice %arg4[%add3A_404, %dma_start3A_412, %dma_start3A_413] : memref<16384x56x128xf32, #tpu.memory_space<hbm>> -> memref<8x56x32xf32, #tpu.memory_space<hbm>>
      %dma_start3A_415 = arith.constant 0 : i32
      %dma_start3A_416 = arith.constant 56 : i32
      %dma_start3A_417 = arith.constant 0 : i32
      %dma_start3A_418 = tpu.memref_slice %arg7[%dma_start3A_415, %dma_start3A_416, %dma_start3A_417] : memref<8x112x32xf32, #tpu.memory_space<vmem>> -> memref<8x56x32xf32, #tpu.memory_space<vmem>>
      tpu.enqueue_dma source(%dma_start3A_418 : memref<8x56x32xf32, #tpu.memory_space<vmem>>) target(%dma_start3A_414 : memref<8x56x32xf32, #tpu.memory_space<hbm>>) target_semaphore(%arg11 : memref<!tpu.dma_semaphore, #tpu.memory_space<semaphore_mem>>)
      %dma_wait3A_419 = arith.constant 0 : i32
      %dma_wait3A_420 = arith.constant 0 : i32
      %dma_wait3A_421 = arith.constant 0 : i32
      %dma_wait3A_422 = arith.constant 0 : i32
      %dma_wait3A_423 = tpu.memref_slice %arg8[%dma_wait3A_420, %dma_wait3A_421, %dma_wait3A_422] : memref<8x112x32xf32, #tpu.memory_space<vmem>> -> memref<1x112x32xf32, #tpu.memory_space<vmem>>
      %dma_wait3A_424 = tpu.memref_squeeze %dma_wait3A_423 : memref<1x112x32xf32, #tpu.memory_space<vmem>> -> memref<112x32xf32, #tpu.memory_space<vmem>>
      %dma_wait3A_425 = arith.constant 0 : i32
      %dma_wait3A_426 = tpu.memref_slice %arg6[%dma_wait3A_419, %dma_wait3A_425] : memref<8x112xi32, #tpu.memory_space<vmem>> -> memref<1x112xi32, #tpu.memory_space<vmem>>
      %dma_wait3A_427 = tpu.memref_squeeze %dma_wait3A_426 : memref<1x112xi32, #tpu.memory_space<vmem>> -> memref<112xi32, #tpu.memory_space<vmem>>
      %dma_wait3A_428 = arith.constant 0 : i32
      %dma_wait3A_429 = arith.constant 0 : i32
      %dma_wait3A_430 = tpu.memref_slice %arg3[%dma_wait3A_428, %dma_wait3A_429] : memref<1000000x32xf32, #tpu.memory_space<hbm>> -> memref<1000000x32xf32, #tpu.memory_space<hbm>>
      tpu.wait_indirect_dma semaphore(%arg10 : memref<!tpu.dma_semaphore, #tpu.memory_space<semaphore_mem>>) src(%dma_wait3A_430 : memref<1000000x32xf32, #tpu.memory_space<hbm>>) dst(%dma_wait3A_424 : memref<112x32xf32, #tpu.memory_space<vmem>>)
      %dma_wait3A_431 = arith.constant 1 : i32
      %dma_wait3A_432 = arith.constant 1 : i32
      %dma_wait3A_433 = arith.constant 0 : i32
      %dma_wait3A_434 = arith.constant 0 : i32
      %dma_wait3A_435 = tpu.memref_slice %arg8[%dma_wait3A_432, %dma_wait3A_433, %dma_wait3A_434] : memref<8x112x32xf32, #tpu.memory_space<vmem>> -> memref<1x112x32xf32, #tpu.memory_space<vmem>>
      %dma_wait3A_436 = tpu.memref_squeeze %dma_wait3A_435 : memref<1x112x32xf32, #tpu.memory_space<vmem>> -> memref<112x32xf32, #tpu.memory_space<vmem>>
      %dma_wait3A_437 = arith.constant 0 : i32
      %dma_wait3A_438 = tpu.memref_slice %arg6[%dma_wait3A_431, %dma_wait3A_437] : memref<8x112xi32, #tpu.memory_space<vmem>> -> memref<1x112xi32, #tpu.memory_space<vmem>>
      %dma_wait3A_439 = tpu.memref_squeeze %dma_wait3A_438 : memref<1x112xi32, #tpu.memory_space<vmem>> -> memref<112xi32, #tpu.memory_space<vmem>>
      %dma_wait3A_440 = arith.constant 0 : i32
      %dma_wait3A_441 = arith.constant 0 : i32
      %dma_wait3A_442 = tpu.memref_slice %arg3[%dma_wait3A_440, %dma_wait3A_441] : memref<1000000x32xf32, #tpu.memory_space<hbm>> -> memref<1000000x32xf32, #tpu.memory_space<hbm>>
      tpu.wait_indirect_dma semaphore(%arg10 : memref<!tpu.dma_semaphore, #tpu.memory_space<semaphore_mem>>) src(%dma_wait3A_442 : memref<1000000x32xf32, #tpu.memory_space<hbm>>) dst(%dma_wait3A_436 : memref<112x32xf32, #tpu.memory_space<vmem>>)
      %dma_wait3A_443 = arith.constant 2 : i32
      %dma_wait3A_444 = arith.constant 2 : i32
      %dma_wait3A_445 = arith.constant 0 : i32
      %dma_wait3A_446 = arith.constant 0 : i32
      %dma_wait3A_447 = tpu.memref_slice %arg8[%dma_wait3A_444, %dma_wait3A_445, %dma_wait3A_446] : memref<8x112x32xf32, #tpu.memory_space<vmem>> -> memref<1x112x32xf32, #tpu.memory_space<vmem>>
      %dma_wait3A_448 = tpu.memref_squeeze %dma_wait3A_447 : memref<1x112x32xf32, #tpu.memory_space<vmem>> -> memref<112x32xf32, #tpu.memory_space<vmem>>
      %dma_wait3A_449 = arith.constant 0 : i32
      %dma_wait3A_450 = tpu.memref_slice %arg6[%dma_wait3A_443, %dma_wait3A_449] : memref<8x112xi32, #tpu.memory_space<vmem>> -> memref<1x112xi32, #tpu.memory_space<vmem>>
      %dma_wait3A_451 = tpu.memref_squeeze %dma_wait3A_450 : memref<1x112xi32, #tpu.memory_space<vmem>> -> memref<112xi32, #tpu.memory_space<vmem>>
      %dma_wait3A_452 = arith.constant 0 : i32
      %dma_wait3A_453 = arith.constant 0 : i32
      %dma_wait3A_454 = tpu.memref_slice %arg3[%dma_wait3A_452, %dma_wait3A_453] : memref<1000000x32xf32, #tpu.memory_space<hbm>> -> memref<1000000x32xf32, #tpu.memory_space<hbm>>
      tpu.wait_indirect_dma semaphore(%arg10 : memref<!tpu.dma_semaphore, #tpu.memory_space<semaphore_mem>>) src(%dma_wait3A_454 : memref<1000000x32xf32, #tpu.memory_space<hbm>>) dst(%dma_wait3A_448 : memref<112x32xf32, #tpu.memory_space<vmem>>)
      %dma_wait3A_455 = arith.constant 3 : i32
      %dma_wait3A_456 = arith.constant 3 : i32
      %dma_wait3A_457 = arith.constant 0 : i32
      %dma_wait3A_458 = arith.constant 0 : i32
      %dma_wait3A_459 = tpu.memref_slice %arg8[%dma_wait3A_456, %dma_wait3A_457, %dma_wait3A_458] : memref<8x112x32xf32, #tpu.memory_space<vmem>> -> memref<1x112x32xf32, #tpu.memory_space<vmem>>
      %dma_wait3A_460 = tpu.memref_squeeze %dma_wait3A_459 : memref<1x112x32xf32, #tpu.memory_space<vmem>> -> memref<112x32xf32, #tpu.memory_space<vmem>>
      %dma_wait3A_461 = arith.constant 0 : i32
      %dma_wait3A_462 = tpu.memref_slice %arg6[%dma_wait3A_455, %dma_wait3A_461] : memref<8x112xi32, #tpu.memory_space<vmem>> -> memref<1x112xi32, #tpu.memory_space<vmem>>
      %dma_wait3A_463 = tpu.memref_squeeze %dma_wait3A_462 : memref<1x112xi32, #tpu.memory_space<vmem>> -> memref<112xi32, #tpu.memory_space<vmem>>
      %dma_wait3A_464 = arith.constant 0 : i32
      %dma_wait3A_465 = arith.constant 0 : i32
      %dma_wait3A_466 = tpu.memref_slice %arg3[%dma_wait3A_464, %dma_wait3A_465] : memref<1000000x32xf32, #tpu.memory_space<hbm>> -> memref<1000000x32xf32, #tpu.memory_space<hbm>>
      tpu.wait_indirect_dma semaphore(%arg10 : memref<!tpu.dma_semaphore, #tpu.memory_space<semaphore_mem>>) src(%dma_wait3A_466 : memref<1000000x32xf32, #tpu.memory_space<hbm>>) dst(%dma_wait3A_460 : memref<112x32xf32, #tpu.memory_space<vmem>>)
      %dma_wait3A_467 = arith.constant 4 : i32
      %dma_wait3A_468 = arith.constant 4 : i32
      %dma_wait3A_469 = arith.constant 0 : i32
      %dma_wait3A_470 = arith.constant 0 : i32
      %dma_wait3A_471 = tpu.memref_slice %arg8[%dma_wait3A_468, %dma_wait3A_469, %dma_wait3A_470] : memref<8x112x32xf32, #tpu.memory_space<vmem>> -> memref<1x112x32xf32, #tpu.memory_space<vmem>>
      %dma_wait3A_472 = tpu.memref_squeeze %dma_wait3A_471 : memref<1x112x32xf32, #tpu.memory_space<vmem>> -> memref<112x32xf32, #tpu.memory_space<vmem>>
      %dma_wait3A_473 = arith.constant 0 : i32
      %dma_wait3A_474 = tpu.memref_slice %arg6[%dma_wait3A_467, %dma_wait3A_473] : memref<8x112xi32, #tpu.memory_space<vmem>> -> memref<1x112xi32, #tpu.memory_space<vmem>>
      %dma_wait3A_475 = tpu.memref_squeeze %dma_wait3A_474 : memref<1x112xi32, #tpu.memory_space<vmem>> -> memref<112xi32, #tpu.memory_space<vmem>>
      %dma_wait3A_476 = arith.constant 0 : i32
      %dma_wait3A_477 = arith.constant 0 : i32
      %dma_wait3A_478 = tpu.memref_slice %arg3[%dma_wait3A_476, %dma_wait3A_477] : memref<1000000x32xf32, #tpu.memory_space<hbm>> -> memref<1000000x32xf32, #tpu.memory_space<hbm>>
      tpu.wait_indirect_dma semaphore(%arg10 : memref<!tpu.dma_semaphore, #tpu.memory_space<semaphore_mem>>) src(%dma_wait3A_478 : memref<1000000x32xf32, #tpu.memory_space<hbm>>) dst(%dma_wait3A_472 : memref<112x32xf32, #tpu.memory_space<vmem>>)
      %dma_wait3A_479 = arith.constant 5 : i32
      %dma_wait3A_480 = arith.constant 5 : i32
      %dma_wait3A_481 = arith.constant 0 : i32
      %dma_wait3A_482 = arith.constant 0 : i32
      %dma_wait3A_483 = tpu.memref_slice %arg8[%dma_wait3A_480, %dma_wait3A_481, %dma_wait3A_482] : memref<8x112x32xf32, #tpu.memory_space<vmem>> -> memref<1x112x32xf32, #tpu.memory_space<vmem>>
      %dma_wait3A_484 = tpu.memref_squeeze %dma_wait3A_483 : memref<1x112x32xf32, #tpu.memory_space<vmem>> -> memref<112x32xf32, #tpu.memory_space<vmem>>
      %dma_wait3A_485 = arith.constant 0 : i32
      %dma_wait3A_486 = tpu.memref_slice %arg6[%dma_wait3A_479, %dma_wait3A_485] : memref<8x112xi32, #tpu.memory_space<vmem>> -> memref<1x112xi32, #tpu.memory_space<vmem>>
      %dma_wait3A_487 = tpu.memref_squeeze %dma_wait3A_486 : memref<1x112xi32, #tpu.memory_space<vmem>> -> memref<112xi32, #tpu.memory_space<vmem>>
      %dma_wait3A_488 = arith.constant 0 : i32
      %dma_wait3A_489 = arith.constant 0 : i32
      %dma_wait3A_490 = tpu.memref_slice %arg3[%dma_wait3A_488, %dma_wait3A_489] : memref<1000000x32xf32, #tpu.memory_space<hbm>> -> memref<1000000x32xf32, #tpu.memory_space<hbm>>
      tpu.wait_indirect_dma semaphore(%arg10 : memref<!tpu.dma_semaphore, #tpu.memory_space<semaphore_mem>>) src(%dma_wait3A_490 : memref<1000000x32xf32, #tpu.memory_space<hbm>>) dst(%dma_wait3A_484 : memref<112x32xf32, #tpu.memory_space<vmem>>)
      %dma_wait3A_491 = arith.constant 6 : i32
      %dma_wait3A_492 = arith.constant 6 : i32
      %dma_wait3A_493 = arith.constant 0 : i32
      %dma_wait3A_494 = arith.constant 0 : i32
      %dma_wait3A_495 = tpu.memref_slice %arg8[%dma_wait3A_492, %dma_wait3A_493, %dma_wait3A_494] : memref<8x112x32xf32, #tpu.memory_space<vmem>> -> memref<1x112x32xf32, #tpu.memory_space<vmem>>
      %dma_wait3A_496 = tpu.memref_squeeze %dma_wait3A_495 : memref<1x112x32xf32, #tpu.memory_space<vmem>> -> memref<112x32xf32, #tpu.memory_space<vmem>>
      %dma_wait3A_497 = arith.constant 0 : i32
      %dma_wait3A_498 = tpu.memref_slice %arg6[%dma_wait3A_491, %dma_wait3A_497] : memref<8x112xi32, #tpu.memory_space<vmem>> -> memref<1x112xi32, #tpu.memory_space<vmem>>
      %dma_wait3A_499 = tpu.memref_squeeze %dma_wait3A_498 : memref<1x112xi32, #tpu.memory_space<vmem>> -> memref<112xi32, #tpu.memory_space<vmem>>
      %dma_wait3A_500 = arith.constant 0 : i32
      %dma_wait3A_501 = arith.constant 0 : i32
      %dma_wait3A_502 = tpu.memref_slice %arg3[%dma_wait3A_500, %dma_wait3A_501] : memref<1000000x32xf32, #tpu.memory_space<hbm>> -> memref<1000000x32xf32, #tpu.memory_space<hbm>>
      tpu.wait_indirect_dma semaphore(%arg10 : memref<!tpu.dma_semaphore, #tpu.memory_space<semaphore_mem>>) src(%dma_wait3A_502 : memref<1000000x32xf32, #tpu.memory_space<hbm>>) dst(%dma_wait3A_496 : memref<112x32xf32, #tpu.memory_space<vmem>>)
      %dma_wait3A_503 = arith.constant 7 : i32
      %dma_wait3A_504 = arith.constant 7 : i32
      %dma_wait3A_505 = arith.constant 0 : i32
      %dma_wait3A_506 = arith.constant 0 : i32
      %dma_wait3A_507 = tpu.memref_slice %arg8[%dma_wait3A_504, %dma_wait3A_505, %dma_wait3A_506] : memref<8x112x32xf32, #tpu.memory_space<vmem>> -> memref<1x112x32xf32, #tpu.memory_space<vmem>>
      %dma_wait3A_508 = tpu.memref_squeeze %dma_wait3A_507 : memref<1x112x32xf32, #tpu.memory_space<vmem>> -> memref<112x32xf32, #tpu.memory_space<vmem>>
      %dma_wait3A_509 = arith.constant 0 : i32
      %dma_wait3A_510 = tpu.memref_slice %arg6[%dma_wait3A_503, %dma_wait3A_509] : memref<8x112xi32, #tpu.memory_space<vmem>> -> memref<1x112xi32, #tpu.memory_space<vmem>>
      %dma_wait3A_511 = tpu.memref_squeeze %dma_wait3A_510 : memref<1x112xi32, #tpu.memory_space<vmem>> -> memref<112xi32, #tpu.memory_space<vmem>>
      %dma_wait3A_512 = arith.constant 0 : i32
      %dma_wait3A_513 = arith.constant 0 : i32
      %dma_wait3A_514 = tpu.memref_slice %arg3[%dma_wait3A_512, %dma_wait3A_513] : memref<1000000x32xf32, #tpu.memory_space<hbm>> -> memref<1000000x32xf32, #tpu.memory_space<hbm>>
      tpu.wait_indirect_dma semaphore(%arg10 : memref<!tpu.dma_semaphore, #tpu.memory_space<semaphore_mem>>) src(%dma_wait3A_514 : memref<1000000x32xf32, #tpu.memory_space<hbm>>) dst(%dma_wait3A_508 : memref<112x32xf32, #tpu.memory_space<vmem>>)
      %mul3A_515 = arith.constant 16 : i32
      %mul3A_516 = arith.muli %add3A_78, %mul3A_515 : i32
      %add3A_517 = arith.addi %mul3A_2, %mul3A_516 : i32
      %add3A_518 = arith.constant 0 : i32
      %add3A_519 = arith.addi %add3A_517, %add3A_518 : i32
      %dma_start3A_520 = arith.constant 0 : i32
      %dma_start3A_521 = arith.constant 0 : i32
      %dma_start3A_522 = arith.constant 0 : i32
      %dma_start3A_523 = tpu.memref_slice %arg8[%dma_start3A_520, %dma_start3A_521, %dma_start3A_522] : memref<8x112x32xf32, #tpu.memory_space<vmem>> -> memref<8x56x32xf32, #tpu.memory_space<vmem>>
      %dma_start3A_524 = arith.constant 0 : i32
      %dma_start3A_525 = arith.constant 0 : i32
      %dma_start3A_526 = tpu.memref_slice %arg4[%add3A_519, %dma_start3A_524, %dma_start3A_525] : memref<16384x56x128xf32, #tpu.memory_space<hbm>> -> memref<8x56x32xf32, #tpu.memory_space<hbm>>
      %dma_start3A_527 = arith.constant 0 : i32
      %dma_start3A_528 = arith.constant 0 : i32
      %dma_start3A_529 = tpu.memref_slice %arg4[%add3A_519, %dma_start3A_527, %dma_start3A_528] : memref<16384x56x128xf32, #tpu.memory_space<hbm>> -> memref<8x56x32xf32, #tpu.memory_space<hbm>>
      %dma_start3A_530 = arith.constant 0 : i32
      %dma_start3A_531 = arith.constant 0 : i32
      %dma_start3A_532 = arith.constant 0 : i32
      %dma_start3A_533 = tpu.memref_slice %arg8[%dma_start3A_530, %dma_start3A_531, %dma_start3A_532] : memref<8x112x32xf32, #tpu.memory_space<vmem>> -> memref<8x56x32xf32, #tpu.memory_space<vmem>>
      tpu.enqueue_dma source(%dma_start3A_533 : memref<8x56x32xf32, #tpu.memory_space<vmem>>) target(%dma_start3A_529 : memref<8x56x32xf32, #tpu.memory_space<hbm>>) target_semaphore(%arg12 : memref<!tpu.dma_semaphore, #tpu.memory_space<semaphore_mem>>)
      %add3A_534 = arith.constant 8 : i32
      %add3A_535 = arith.addi %add3A_517, %add3A_534 : i32
      %dma_start3A_536 = arith.constant 0 : i32
      %dma_start3A_537 = arith.constant 56 : i32
      %dma_start3A_538 = arith.constant 0 : i32
      %dma_start3A_539 = tpu.memref_slice %arg8[%dma_start3A_536, %dma_start3A_537, %dma_start3A_538] : memref<8x112x32xf32, #tpu.memory_space<vmem>> -> memref<8x56x32xf32, #tpu.memory_space<vmem>>
      %dma_start3A_540 = arith.constant 0 : i32
      %dma_start3A_541 = arith.constant 0 : i32
      %dma_start3A_542 = tpu.memref_slice %arg4[%add3A_535, %dma_start3A_540, %dma_start3A_541] : memref<16384x56x128xf32, #tpu.memory_space<hbm>> -> memref<8x56x32xf32, #tpu.memory_space<hbm>>
      %dma_start3A_543 = arith.constant 0 : i32
      %dma_start3A_544 = arith.constant 0 : i32
      %dma_start3A_545 = tpu.memref_slice %arg4[%add3A_535, %dma_start3A_543, %dma_start3A_544] : memref<16384x56x128xf32, #tpu.memory_space<hbm>> -> memref<8x56x32xf32, #tpu.memory_space<hbm>>
      %dma_start3A_546 = arith.constant 0 : i32
      %dma_start3A_547 = arith.constant 56 : i32
      %dma_start3A_548 = arith.constant 0 : i32
      %dma_start3A_549 = tpu.memref_slice %arg8[%dma_start3A_546, %dma_start3A_547, %dma_start3A_548] : memref<8x112x32xf32, #tpu.memory_space<vmem>> -> memref<8x56x32xf32, #tpu.memory_space<vmem>>
      tpu.enqueue_dma source(%dma_start3A_549 : memref<8x56x32xf32, #tpu.memory_space<vmem>>) target(%dma_start3A_545 : memref<8x56x32xf32, #tpu.memory_space<hbm>>) target_semaphore(%arg12 : memref<!tpu.dma_semaphore, #tpu.memory_space<semaphore_mem>>)
    }
    %scan3A_10 = arith.constant 16 : i32
    %dma_wait3A = arith.constant 0 : i32
    %dma_wait3A_11 = arith.constant 0 : i32
    %dma_wait3A_12 = arith.constant 0 : i32
    %dma_wait3A_13 = tpu.memref_slice %arg7[%dma_wait3A, %dma_wait3A_11, %dma_wait3A_12] : memref<8x112x32xf32, #tpu.memory_space<vmem>> -> memref<8x56x32xf32, #tpu.memory_space<vmem>>
    %dma_wait3A_14 = arith.constant 0 : i32
    %dma_wait3A_15 = arith.constant 0 : i32
    %dma_wait3A_16 = arith.constant 0 : i32
    %dma_wait3A_17 = tpu.memref_slice %arg4[%dma_wait3A_14, %dma_wait3A_15, %dma_wait3A_16] : memref<16384x56x128xf32, #tpu.memory_space<hbm>> -> memref<8x56x32xf32, #tpu.memory_space<hbm>>
    %dma_wait3A_18 = arith.constant 0 : i32
    %dma_wait3A_19 = arith.constant 0 : i32
    %dma_wait3A_20 = arith.constant 0 : i32
    %dma_wait3A_21 = tpu.memref_slice %arg4[%dma_wait3A_18, %dma_wait3A_19, %dma_wait3A_20] : memref<16384x56x128xf32, #tpu.memory_space<hbm>> -> memref<8x56x32xf32, #tpu.memory_space<hbm>>
    %dma_wait3A_22 = arith.constant 0 : i32
    %dma_wait3A_23 = arith.constant 0 : i32
    %dma_wait3A_24 = arith.constant 0 : i32
    %dma_wait3A_25 = tpu.memref_slice %arg7[%dma_wait3A_22, %dma_wait3A_23, %dma_wait3A_24] : memref<8x112x32xf32, #tpu.memory_space<vmem>> -> memref<8x56x32xf32, #tpu.memory_space<vmem>>
    tpu.wait_dma2 semaphore(%arg11 : memref<!tpu.dma_semaphore, #tpu.memory_space<semaphore_mem>>) src(%dma_wait3A_25 : memref<8x56x32xf32, #tpu.memory_space<vmem>>) dst(%dma_wait3A_21 : memref<8x56x32xf32, #tpu.memory_space<hbm>>)
    %dma_wait3A_26 = arith.constant 0 : i32
    %dma_wait3A_27 = arith.constant 56 : i32
    %dma_wait3A_28 = arith.constant 0 : i32
    %dma_wait3A_29 = tpu.memref_slice %arg7[%dma_wait3A_26, %dma_wait3A_27, %dma_wait3A_28] : memref<8x112x32xf32, #tpu.memory_space<vmem>> -> memref<8x56x32xf32, #tpu.memory_space<vmem>>
    %dma_wait3A_30 = arith.constant 0 : i32
    %dma_wait3A_31 = arith.constant 0 : i32
    %dma_wait3A_32 = arith.constant 0 : i32
    %dma_wait3A_33 = tpu.memref_slice %arg4[%dma_wait3A_30, %dma_wait3A_31, %dma_wait3A_32] : memref<16384x56x128xf32, #tpu.memory_space<hbm>> -> memref<8x56x32xf32, #tpu.memory_space<hbm>>
    %dma_wait3A_34 = arith.constant 0 : i32
    %dma_wait3A_35 = arith.constant 0 : i32
    %dma_wait3A_36 = arith.constant 0 : i32
    %dma_wait3A_37 = tpu.memref_slice %arg4[%dma_wait3A_34, %dma_wait3A_35, %dma_wait3A_36] : memref<16384x56x128xf32, #tpu.memory_space<hbm>> -> memref<8x56x32xf32, #tpu.memory_space<hbm>>
    %dma_wait3A_38 = arith.constant 0 : i32
    %dma_wait3A_39 = arith.constant 56 : i32
    %dma_wait3A_40 = arith.constant 0 : i32
    %dma_wait3A_41 = tpu.memref_slice %arg7[%dma_wait3A_38, %dma_wait3A_39, %dma_wait3A_40] : memref<8x112x32xf32, #tpu.memory_space<vmem>> -> memref<8x56x32xf32, #tpu.memory_space<vmem>>
    tpu.wait_dma2 semaphore(%arg11 : memref<!tpu.dma_semaphore, #tpu.memory_space<semaphore_mem>>) src(%dma_wait3A_41 : memref<8x56x32xf32, #tpu.memory_space<vmem>>) dst(%dma_wait3A_37 : memref<8x56x32xf32, #tpu.memory_space<hbm>>)
    %dma_wait3A_42 = arith.constant 0 : i32
    %dma_wait3A_43 = arith.constant 0 : i32
    %dma_wait3A_44 = arith.constant 0 : i32
    %dma_wait3A_45 = tpu.memref_slice %arg8[%dma_wait3A_42, %dma_wait3A_43, %dma_wait3A_44] : memref<8x112x32xf32, #tpu.memory_space<vmem>> -> memref<8x56x32xf32, #tpu.memory_space<vmem>>
    %dma_wait3A_46 = arith.constant 0 : i32
    %dma_wait3A_47 = arith.constant 0 : i32
    %dma_wait3A_48 = arith.constant 0 : i32
    %dma_wait3A_49 = tpu.memref_slice %arg4[%dma_wait3A_46, %dma_wait3A_47, %dma_wait3A_48] : memref<16384x56x128xf32, #tpu.memory_space<hbm>> -> memref<8x56x32xf32, #tpu.memory_space<hbm>>
    %dma_wait3A_50 = arith.constant 0 : i32
    %dma_wait3A_51 = arith.constant 0 : i32
    %dma_wait3A_52 = arith.constant 0 : i32
    %dma_wait3A_53 = tpu.memref_slice %arg4[%dma_wait3A_50, %dma_wait3A_51, %dma_wait3A_52] : memref<16384x56x128xf32, #tpu.memory_space<hbm>> -> memref<8x56x32xf32, #tpu.memory_space<hbm>>
    %dma_wait3A_54 = arith.constant 0 : i32
    %dma_wait3A_55 = arith.constant 0 : i32
    %dma_wait3A_56 = arith.constant 0 : i32
    %dma_wait3A_57 = tpu.memref_slice %arg8[%dma_wait3A_54, %dma_wait3A_55, %dma_wait3A_56] : memref<8x112x32xf32, #tpu.memory_space<vmem>> -> memref<8x56x32xf32, #tpu.memory_space<vmem>>
    tpu.wait_dma2 semaphore(%arg12 : memref<!tpu.dma_semaphore, #tpu.memory_space<semaphore_mem>>) src(%dma_wait3A_57 : memref<8x56x32xf32, #tpu.memory_space<vmem>>) dst(%dma_wait3A_53 : memref<8x56x32xf32, #tpu.memory_space<hbm>>)
    %dma_wait3A_58 = arith.constant 0 : i32
    %dma_wait3A_59 = arith.constant 56 : i32
    %dma_wait3A_60 = arith.constant 0 : i32
    %dma_wait3A_61 = tpu.memref_slice %arg8[%dma_wait3A_58, %dma_wait3A_59, %dma_wait3A_60] : memref<8x112x32xf32, #tpu.memory_space<vmem>> -> memref<8x56x32xf32, #tpu.memory_space<vmem>>
    %dma_wait3A_62 = arith.constant 0 : i32
    %dma_wait3A_63 = arith.constant 0 : i32
    %dma_wait3A_64 = arith.constant 0 : i32
    %dma_wait3A_65 = tpu.memref_slice %arg4[%dma_wait3A_62, %dma_wait3A_63, %dma_wait3A_64] : memref<16384x56x128xf32, #tpu.memory_space<hbm>> -> memref<8x56x32xf32, #tpu.memory_space<hbm>>
    %dma_wait3A_66 = arith.constant 0 : i32
    %dma_wait3A_67 = arith.constant 0 : i32
    %dma_wait3A_68 = arith.constant 0 : i32
    %dma_wait3A_69 = tpu.memref_slice %arg4[%dma_wait3A_66, %dma_wait3A_67, %dma_wait3A_68] : memref<16384x56x128xf32, #tpu.memory_space<hbm>> -> memref<8x56x32xf32, #tpu.memory_space<hbm>>
    %dma_wait3A_70 = arith.constant 0 : i32
    %dma_wait3A_71 = arith.constant 56 : i32
    %dma_wait3A_72 = arith.constant 0 : i32
    %dma_wait3A_73 = tpu.memref_slice %arg8[%dma_wait3A_70, %dma_wait3A_71, %dma_wait3A_72] : memref<8x112x32xf32, #tpu.memory_space<vmem>> -> memref<8x56x32xf32, #tpu.memory_space<vmem>>
    tpu.wait_dma2 semaphore(%arg12 : memref<!tpu.dma_semaphore, #tpu.memory_space<semaphore_mem>>) src(%dma_wait3A_73 : memref<8x56x32xf32, #tpu.memory_space<vmem>>) dst(%dma_wait3A_69 : memref<8x56x32xf32, #tpu.memory_space<hbm>>)
    return
  }
}

</mosaic_0001>

<sc_bundles>
// kernel: kernel.3.cloned.1.call-start
scs
__scs_entry_jumppad:
0x0: {  	(pc) =	sbr.rel $0x88, $3  }
0x1: {  	(tag) =	ssettag $0x0;
	lr =	simm.s32 $0x1  }
0x2: {  	[smem:$0x3F9F] =	sst lr;
	_ =	strace $0xD0000000  }
0x3: {  	_ = 	snop  }
0x4: {  	_ = 	snop  }
0x5: {  	_ = 	snop  }
0x6: {  	_ = 	snop  }
0x7: {  	_ = 	snop  }
__scs_overlays_trampoline_lowered:
0x8: {  	[smem:$0x3FAE] =	sst s0  }
0x9: {  	[smem:$0x3FAF] =	sst s1  }
0xa: {  	[smem:$0x3FB0] =	sst s2  }
0xb: {  	[smem:$0x3FB1] =	sst s3  }
0xc: {  	[smem:$0x3FB2] =	sst s4  }
0xd: {  	[smem:$0x3FB3] =	sst s5  }
0xe: {  	[smem:$0x3FB4] =	sst s6  }
0xf: {  	[smem:$0x3FB5] =	sst s7  }
0x10: {  	[smem:$0x3FB6] =	sst s8  }
0x11: {  	[smem:$0x3FB7] =	sst s9;
	s0 =	simm.s32 @!p0 $0x0  }
0x12: {  	s1 =	sld [smem:$0x3F9D];
	s0 =	simm.s32 @p0 $0x1  }
0x13: {  	[smem:$0x3FB8] =	sst s0;
	s0 =	simm.s32 @!p1 $0x0  }
0x14: {  	s2 =	sld [smem:$0x3F9C];
	s0 =	simm.s32 @p1 $0x1  }
0x15: {  	[smem:$0x3FB9] =	sst s0;
	s0 =	simm.s32 @!p2 $0x0  }
0x16: {  	s3 =	sld [smem:$0x3FDB];
	s0 =	simm.s32 @p2 $0x1  }
0x17: {  	s4 =	simm.s32 $0x1BF5;
	[smem:$0x3FBB] =	sst s0  }
0x18: {  	s0 =	sld [smem:$0x3F9E];
	_ =	swait.ge [sflag:s4], $0x0  }
0x19: {  	s7 =	sld [smem:$0x3F9F]  }
0x1a: {  	s8 =	sadd.s32 $0xFFFFE003, lr  }
0x1b: {  	s9 =	sadd.s32 $0xFFFFFEF7, lr;
	s5 =	simm.s32 $0xFFFFFFFF;
	p2 =	slt.u32 s8, $0xFFFFF086  }
0x1c: {  	p1 =	slt.u32 s9, $0xF7A;
	s5 =	simm.s32 @!p2 $0x0  }
0x1d: {  	s5 =	simm.s32 @p1 $0x1;
	p0 =	seq.s32 s7, s2  }
0x1e: {  	s7 =	smul.u32 @!p0 $0xF7A, s2;
	p2 =	seq.s32 @!p0 s5, $0x0  }
0x1f: {  	s9 =	smul.u32 $0xF7A, s1;
	s8 =	simm.s32 @!p0 $0x1BF5;
	p2 =	por !p2, p0  }
0x20: {  	[sflag:s8] =	ssyncset.s32 @!p0 $0xFFFFF086;
	s6 =	sadd.s32 @!p0 s3, s7;
	s7 =	simm.s32 @!p0 $0x108  }
0x21: {  	s3 =	sadd.s32 s3, s9;
	s6 =	sadd.s32 @!p0 $0x88, s6;
	s7 =	simm.s32 @p2 $0x1082  }
0x22: {  	[simem:s7], [sflag:s8] =	dma.local @!p0 [hbm:s6], $0xF7A  }
0x23: {  	s9 =	sor.u32 $0xD0000000, s2;
	s6 =	simm.s32 $0x108;
	_ =	swait.ge @!p0 [sflag:s8], $0x0  }
0x24: {  	s3 =	sadd.s32 $0x88, s3;
	s6 =	simm.s32 @!p1 $0x1082;
	[sflag:s4] =	ssyncset.s32 $0xFFFFF086  }
0x25: {  	[simem:s6], [sflag:s4] =	dma.local [hbm:s3], $0xF7A  }
0x26: {  	[smem:$0x3F9F] =	sst s1;
	(tag) =	ssettag s2;
	_ =	strace s9  }
0x27: {  	s1 =	sld [smem:$0x3FAF]  }
0x28: {  	s2 =	sld [smem:$0x3FB0]  }
0x29: {  	s4 =	sld [smem:$0x3FB2]  }
0x2a: {  	p0 =	seq.s32 s5, $0x0;
	s5 =	sld [smem:$0x3FB3]  }
0x2b: {  	s6 =	sld [smem:$0x3FB4]  }
0x2c: {  	s7 =	sld [smem:$0x3FB5]  }
0x2d: {  	s3 =	simm.s32 $0x108;
	s8 =	sld [smem:$0x3FB6]  }
0x2e: {  	s3 =	simm.s32 @!p0 $0x1082;
	s9 =	sld [smem:$0x3FB7]  }
0x2f: {  	lr =	sadd.s32 s0, s3;
	s0 =	sld [smem:$0x3FAE]  }
0x30: {  	s3 =	sld [smem:$0x3FB1]  }
0x31: {  	[smem:$0x3FBA] =	sst s10  }
0x32: {  	s10 =	sld [smem:$0x3FB8];
	_ =	sdelay $0x3  }
0x33: {  	p0 =	seq.s32 s10, $0x1;
	s10 =	sld [smem:$0x3FBA];
	_ =	sdelay $0x3  }
0x34: {  	[smem:$0x3FBA] =	sst s10  }
0x35: {  	s10 =	sld [smem:$0x3FB9];
	_ =	sdelay $0x3  }
0x36: {  	p1 =	seq.s32 s10, $0x1;
	s10 =	sld [smem:$0x3FBA];
	_ =	sdelay $0x3  }
0x37: {  	[smem:$0x3FBA] =	sst s10  }
0x38: {  	s10 =	sld [smem:$0x3FBB]  }
0x39: {  	_ = 	snop;
	(pc) =	sbr.ind lr, $3  }
0x3a: {  	_ = 	snop  }
0x3b: {  	_ = 	snop  }
0x3c: {  	p2 =	seq.s32 s10, $0x1;
	s10 =	sld [smem:$0x3FBA]  }
0x3d: {  	_ =	shalt  }
0x3e: {  	_ =	shalt  }
0x3f: {  	_ =	shalt  }
0x40: {  	_ =	shalt  }
0x41: {  	_ =	shalt  }
0x42: {  	_ =	shalt  }
0x43: {  	_ =	shalt  }
0x44: {  	_ =	shalt  }
0x45: {  	_ =	shalt  }
0x46: {  	_ =	shalt  }
0x47: {  	_ =	shalt  }
0x48: {  	_ =	shalt  }
0x49: {  	_ =	shalt  }
0x4a: {  	_ =	shalt  }
0x4b: {  	_ =	shalt  }
0x4c: {  	_ =	shalt  }
0x4d: {  	_ =	shalt  }
0x4e: {  	_ =	shalt  }
0x4f: {  	_ =	shalt  }
0x50: {  	_ =	shalt  }
0x51: {  	_ =	shalt  }
0x52: {  	_ =	shalt  }
0x53: {  	_ =	shalt  }
0x54: {  	_ =	shalt  }
0x55: {  	_ =	shalt  }
0x56: {  	_ =	shalt  }
0x57: {  	_ =	shalt  }
0x58: {  	_ =	shalt  }
0x59: {  	_ =	shalt  }
0x5a: {  	_ =	shalt  }
0x5b: {  	_ =	shalt  }
0x5c: {  	_ =	shalt  }
0x5d: {  	_ =	shalt  }
0x5e: {  	_ =	shalt  }
0x5f: {  	_ =	shalt  }
0x60: {  	_ =	shalt  }
0x61: {  	_ =	shalt  }
0x62: {  	_ =	shalt  }
0x63: {  	_ =	shalt  }
0x64: {  	_ =	shalt  }
0x65: {  	_ =	shalt  }
0x66: {  	_ =	shalt  }
0x67: {  	_ =	shalt  }
0x68: {  	_ =	shalt  }
0x69: {  	_ =	shalt  }
0x6a: {  	_ =	shalt  }
0x6b: {  	_ =	shalt  }
0x6c: {  	_ =	shalt  }
0x6d: {  	_ =	shalt  }
0x6e: {  	_ =	shalt  }
0x6f: {  	_ =	shalt  }
0x70: {  	_ =	shalt  }
0x71: {  	_ =	shalt  }
0x72: {  	_ =	shalt  }
0x73: {  	_ =	shalt  }
0x74: {  	_ =	shalt  }
0x75: {  	_ =	shalt  }
0x76: {  	_ =	shalt  }
0x77: {  	_ =	shalt  }
0x78: {  	_ =	shalt  }
0x79: {  	_ =	shalt  }
0x7a: {  	_ =	shalt  }
0x7b: {  	_ =	shalt  }
0x7c: {  	_ =	shalt  }
0x7d: {  	_ =	shalt  }
0x7e: {  	_ =	shalt  }
0x7f: {  	_ =	shalt  }
0x80: {  	_ =	shalt  }
0x81: {  	_ =	shalt  }
0x82: {  	_ =	shalt  }
0x83: {  	_ =	shalt  }
0x84: {  	_ =	shalt  }
0x85: {  	_ =	shalt  }
0x86: {  	_ =	shalt  }
0x87: {  	_ =	shalt  }
.Lfunc_end0:
.L_simem_size_0:
called_computation.1_lowered:
.L_overlay_start_0:
0x88: {  	s2 =	sld [smem:$0x3FD9]  }
0x89: {  	s3 =	sld [smem:$0x3FFE];
	_ =	sdelay $0x1  }
0x8a: {  	s1 =	srdreg.scid  }
0x8b: {  	s0 =	sand.u32 $0x1, s1  }
0x8c: {  	s17 =	sshll.u32 s0, $0xA;
	s2 =	sadd.s32 s3, s2  }
0x8d: {  	s2 =	sadd.s32 s2, s17  }
0x8e: {  	[smem:$0x3FC6] =	sst s2  }
0x8f: {  	_ = 	snop  }
0x90: {  	s2 =	sld [smem:$0x3FD0];
	(tm) =	ssettm $0x1  }
0x91: {  	s18 =	sld [smem:$0x3FFB];
	_ =	sdelay $0x3  }
0x92: {  	_ =	strace s18  }
0x93: {  	s3 =	sld [smem:$0x3FFC];
	_ =	sdelay $0x3  }
0x94: {  	_ =	strace s3  }
0x95: {  	s3 =	sld [smem:$0x3FFD];
	_ =	sdelay $0x3  }
0x96: {  	_ =	strace s3  }
0x97: {  	_ =	strace $0x8FFFFFFF  }
0x98: {  	s19 =	sld [smem:$0x3FDB];
	_ =	sdelay $0x1  }
0x99: {  	s4 =	simm.s32 $_scs_section_size  }
0x9a: {  	s5 =	simm.s32 $_size__tile_overlayer_lowered;
	s6 =	simm.s32 $_tile_overlayer_lowered  }
0x9b: {  	s22 =	simm.s32 $0x1BFF;
	s21 =	sshll.u32 s6, $0x1;
	s3 =	sadd.s32 s4, s19  }
0x9c: {  	s7 =	simm.s32 $0x0;
	s20 =	sshll.u32 s5, $0x1;
	s5 =	sadd.s32 s21, s3  }
0x9d: {  	[timem:s7], [sflag:s22] =	dma.local [hbm:s5], s20  }
0x9e: {  	_ =	swait.ge [sflag:s22], s20  }
0x9f: {  	s4 =	ssub.s32 $0x0, s20;
	[sflag:s22] =	ssyncset.done $0x0  }
0xa0: {  	[sflag:s22] =	ssyncadd.s32 s4;
	_ =	sdelay $0x1  }
0xa1: {  	s23 =	simm.s32 $0x1B8B  }
0xa2: {  	_ =	swait.ge [sflag:s23], $0x1  }
0xa3: {  	[sflag:s23] =	ssyncset.done $0x0  }
0xa4: {  	s25 =	simm.s32 $0x1B8E;
	s24 =	sld [smem:$0x3FFE];
	[sflag:s23] =	ssyncadd.s32 $0xFFFFFFFF  }
0xa5: {  	s26 =	simm.s32 $execute0_lowered;
	[smem:$0x3FD2] =	sst s25  }
0xa6: {  	s5 =	sshll.u32 s26, $0x1;
	_ =	strace $0x80000046;
	[dreg:$0x1] =	wrdreg $0xFFFFFFFF  }
0xa7: {  	s28 =	simm.s32 $_size_execute0_lowered;
	s3 =	sadd.s32 s3, s5;
	[dreg:$0x0] =	wrdreg $0x0  }
0xa8: {  	s5 =	sshll.u32 s28, $0x1;
	[dreg:$0x2] =	wrdreg s3  }
0xa9: {  	[dreg:$0x3] =	wrdreg s5  }
0xaa: {  	[dreg:$0x4] =	wrdreg $0xC0  }
0xab: {  	_ =	task [dreg:s7], $0x5FFFF  }
0xac: {  	[dreg:$0x1] =	wrdreg $0xFFFFFFFF  }
0xad: {  	[dreg:$0x0] =	wrdreg $0x60  }
0xae: {  	[dreg:$0x2] =	wrdreg s2  }
0xaf: {  	[dreg:$0x3] =	wrdreg s24  }
0xb0: {  	[dreg:$0x4] =	wrdreg $0x9  }
0xb1: {  	_ =	task.clear_ibuf [dreg:s7], $0x5FFFF;
	_ =	strace $0x90000046  }
0xb2: {  	s29 =	simm.s32 $0x9;
	_ =	strace $0x80000048  }
0xb3: {  	_ =	swait.ge [sflag:s29], $0x1  }
0xb4: {  	[sflag:s29] =	ssyncadd.s32 $0xFFFFFFFF  }
0xb5: {  	_ =	strace $0x90000048  }
0xb6: {  	_ =	sfence  }
0xb7: {  	s30 =	sld [smem:$0x0];
	_ =	sdelay $0x2  }
0xb8: {  	s31 =	sshll.u32 s1, $0xD;
	s1 =	sshrl.u32 s1, $0x2  }
0xb9: {  	s3 =	sand.u32 $0x4000, s31;
	s1 =	sadd.s32 s1, s30  }
0xba: {  	s0 =	sor.u32 s3, s0;
	s1 =	sshll.u32 s1, $0x11  }
0xbb: {  	s0 =	sor.u32 s1, s0  }
0xbc: {  	s0 =	sadd.s32 $0x8F2B, s0  }
0xbd: {  	[sflag:s0] =	ssyncadd.remote.s32 $0x1  }
0xbe: {  	_ =	sfence.sel $0xFFFF  }
0xbf: {  	[dreg:$0x0] =	wrdreg $0xFFFFFFFF;
	(pc) =	sbr.abs _section_cstart, $3  }
0xc0: {  	[dreg:$0x1] =	wrdreg $0xFFFFFFFF  }
0xc1: {  	_ =	task.clear_ibuf [dreg:s7], $0x2FFFF;
	_ =	strace $0x9FFFFFFF  }
0xc2: {  	(tm) =	ssettm $0x7FFFFFFF  }
0xc3: {  	_ =	shalt  }
tec
execute0_lowered:
.L_overlay_start_1:
0x0: {  	(tag) =	ssettag $0x1  }
0x1: {  	s0 =	rddreg [dreg:$0x0]  }
0x2: {  	s1 =	rddreg [dreg:$0x1];
	s2 =	simm.s32 $0x0  }
0x3: {  	s22 =	simm.s32 $0x3B8;
	[smem:$0x7FF] =	sst s2  }
0x4: {  	s23 =	simm.s32 $0x428;
	_ =	strace $0x80000047;
	[dreg:$0x5] =	wrdreg s22  }
0x5: {  	s25 =	simm.s32 $0x498;
	[dreg:$0x6] =	wrdreg s23  }
0x6: {  	s26 =	simm.s32 $0x508;
	[dreg:$0x7] =	wrdreg s25  }
0x7: {  	s29 =	simm.s32 $0x578;
	[dreg:$0x8] =	wrdreg s26  }
0x8: {  	s31 =	simm.s32 $0x5E8;
	[dreg:$0x9] =	wrdreg s29  }
0x9: {  	s3 =	srdreg.scid;
	s11 =	simm.s32 $0x6C8;
	[dreg:$0xa] =	wrdreg s31  }
0xa: {  	s9 =	stileid.u32;
	s13 =	simm.s32 $0xE00;
	[dreg:$0xc] =	wrdreg s11  }
0xb: {  	s15 =	simm.s32 $0x1C00;
	s17 =	simm.s32 $0x2A00;
	[dreg:$0xd] =	wrdreg s13  }
0xc: {  	s18 =	simm.s32 $0x3800;
	s4 =	sand.u32 $0x1, s3;
	[dreg:$0xe] =	wrdreg s15  }
0xd: {  	s5 =	smul.u32 $0x700000, s9;
	s3 =	sadd.s32 $0xF43800, s1;
	[dreg:$0xf] =	wrdreg s17  }
0xe: {  	s1 =	sadd.s32 $0xC00, s1;
	[dreg:$0x10] =	wrdreg s18;
	s22 =	simm.s32 $0x7000  }
0xf: {  	s8 =	smul.u32 $0xE0000, s9;
	s23 =	simm.s32 $0x7E00;
	[dreg:$0x14] =	wrdreg s22  }
0x10: {  	s9 =	sshll.u32 s9, $0xE;
	s25 =	simm.s32 $0x9A00;
	[dreg:$0x15] =	wrdreg s23  }
0x11: {  	s6 =	smul.u32 $0x380000, s4;
	s26 =	simm.s32 $0xA800;
	[dreg:$0x17] =	wrdreg s25  }
0x12: {  	s7 =	ssub.s32 $0x2, s4;
	s29 =	simm.s32 $0xC400;
	[dreg:$0x18] =	wrdreg s26  }
0x13: {  	s20 =	smul.u32 $0x70000, s4;
	s31 =	simm.s32 $0xE000;
	[dreg:$0x1a] =	wrdreg s29  }
0x14: {  	s19 =	sshrl.u32 s7, $0x1;
	[dreg:$0x1c] =	wrdreg s31;
	s5 =	sadd.s32 s6, s5  }
0x15: {  	s6 =	ssub.s32 s7, s19;
	s19 =	simm.s32 $0x4600;
	s5 =	sor.u32 $0xE000, s5  }
0x16: {  	s6 =	smax.u32 s6, $0x1;
	[dreg:$0x11] =	wrdreg s19;
	s5 =	sshrl.u32 s5, $0x3  }
0x17: {  	s4 =	sshll.u32 s4, $0xD;
	[dreg:$0x1f] =	wrdreg s6;
	s5 =	sadd.s32 s5, s1  }
0x18: {  	s1 =	sadd.s32 s8, s1;
	s8 =	simm.s32 $0x658;
	[dreg:$0x3] =	wrdreg s5  }
0x19: {  	s21 =	sor.u32 s4, s9;
	s1 =	sadd.s32 s20, s1;
	[dreg:$0xb] =	wrdreg s8  }
0x1a: {  	s5 =	sadd.s32 s21, s0;
	[dreg:$0x4] =	wrdreg s1  }
0x1b: {  	s20 =	simm.s32 $0x5400;
	[dreg:$0x1d] =	wrdreg s5  }
0x1c: {  	s21 =	simm.s32 $0x6200;
	[dreg:$0x12] =	wrdreg s20  }
0x1d: {  	s24 =	sadd.s32 $0x80, s5;
	[dreg:$0x13] =	wrdreg s21  }
0x1e: {  	s28 =	sadd.s32 $0x10, s5;
	[dreg:$0x1e] =	wrdreg s24  }
0x1f: {  	s30 =	sadd.s32 $0x20, s5;
	[smem:$0x7F5] =	sst s28  }
0x20: {  	s7 =	sadd.s32 $0x30, s5;
	[smem:$0x7F6] =	sst s30  }
0x21: {  	s10 =	sadd.s32 $0x40, s5;
	[smem:$0x7F7] =	sst s7  }
0x22: {  	s12 =	sadd.s32 $0x50, s5;
	[smem:$0x7F8] =	sst s10  }
0x23: {  	s14 =	sadd.s32 $0x60, s5;
	[smem:$0x7F9] =	sst s12  }
0x24: {  	s0 =	sadd.s32 s9, s0;
	s16 =	sadd.s32 $0x70, s5;
	[smem:$0x7FA] =	sst s14  }
0x25: {  	s5 =	sadd.s32 $0x180, s5;
	s0 =	sadd.s32 s4, s0;
	[smem:$0x7FB] =	sst s16  }
0x26: {  	s22 =	simm.s32 $0x80;
	[smem:$0x7FC] =	sst s5;
	s0 =	sadd.s32 $0x200, s0  }
0x27: {  	s6 =	simm.s32 $0x0;
	s24 =	simm.s32 $0x8C00;
	[smem:$0x7FD] =	sst s0  }
0x28: {  	s4 =	simm.s32 $0x70;
	s28 =	simm.s32 $0xB600;
	[dreg:$0x16] =	wrdreg s24  }
0x29: {  	s20 =	simm.s32 $0x1;
	s30 =	simm.s32 $0xD200;
	[dreg:$0x19] =	wrdreg s28  }
0x2a: {  	s21 =	simm.s32 $0x20;
	s1 =	simm.s32 $0x2;
	[dreg:$0x1b] =	wrdreg s30  }
.LBB2_1:
0x2b: {  	[smem:$0x7F4] =	sst s6  }
0x2c: {  	s0 =	rddreg [dreg:$0x1d]  }
0x2d: {  	s17 =	sld [smem:$0x7F5]  }
0x2e: {  	[tilespmem:s2], [sflag:$0x5] =	stream.linear.gather [hbm4b:s0+s2], $0x38, $0x38;
	[tilespmem:$0xE700] =	vst v63  }
0x2f: {  	s18 =	sld [smem:$0x7F6]  }
0x30: {  	[tilespmem:s4], [sflag:$0x5] =	stream.linear.gather [hbm4b:s17+s2], $0x38, $0x38;
	[tilespmem:$0xE700] =	vst v63  }
0x31: {  	s6 =	simm.s32 $0xE0;
	s19 =	sld [smem:$0x7F7]  }
0x32: {  	[tilespmem:s6], [sflag:$0x5] =	stream.linear.gather [hbm4b:s18+s2], $0x38, $0x38;
	[tilespmem:$0xE700] =	vst v63  }
0x33: {  	s25 =	simm.s32 $0x150;
	s23 =	sld [smem:$0x7F8]  }
0x34: {  	[tilespmem:s25], [sflag:$0x5] =	stream.linear.gather [hbm4b:s19+s2], $0x38, $0x38;
	[tilespmem:$0xE700] =	vst v63  }
0x35: {  	s26 =	simm.s32 $0x1C0;
	s24 =	sld [smem:$0x7F9]  }
0x36: {  	[tilespmem:s26], [sflag:$0x5] =	stream.linear.gather [hbm4b:s23+s2], $0x38, $0x38;
	[tilespmem:$0xE700] =	vst v63  }
0x37: {  	s28 =	simm.s32 $0x230;
	s31 =	sld [smem:$0x7FA]  }
0x38: {  	[tilespmem:s28], [sflag:$0x5] =	stream.linear.gather [hbm4b:s24+s2], $0x38, $0x38;
	[tilespmem:$0xE700] =	vst v63  }
0x39: {  	s29 =	simm.s32 $0x2A0;
	s5 =	sld [smem:$0x7FB]  }
0x3a: {  	[tilespmem:s29], [sflag:$0x5] =	stream.linear.gather [hbm4b:s31+s2], $0x38, $0x38;
	[tilespmem:$0xE700] =	vst v63  }
0x3b: {  	s30 =	simm.s32 $0x310;
	s16 =	simm.s32 $0x5  }
0x3c: {  	[tilespmem:s30], [sflag:$0x5] =	stream.linear.gather [hbm4b:s5+s2], $0x38, $0x38;
	[tilespmem:$0xE700] =	vst v63  }
0x3d: {  	_ =	swait.ge [sflag:s16], $0x1C0  }
0x3e: {  	[sflag:s16] =	ssyncset.done $0x0  }
0x3f: {  	s24 =	simm.s32 $0x38;
	s7 =	rddreg [dreg:$0x1e];
	[sflag:s16] =	ssyncadd.s32 $0xFFFFFE40  }
0x40: {  	[tilespmem:s24], [sflag:$0x5] =	stream.linear.gather [hbm4b:s7+s2], $0x38, $0x38;
	[tilespmem:$0xE700] =	vst v63  }
0x41: {  	s31 =	simm.s32 $0xA8;
	s8 =	sadd.s32 $0x10, s7  }
0x42: {  	[tilespmem:s31], [sflag:$0x5] =	stream.linear.gather [hbm4b:s8+s2], $0x38, $0x38;
	[tilespmem:$0xE700] =	vst v63  }
0x43: {  	s10 =	simm.s32 $0x118;
	s9 =	sadd.s32 $0x20, s7  }
0x44: {  	[tilespmem:s10], [sflag:$0x5] =	stream.linear.gather [hbm4b:s9+s2], $0x38, $0x38;
	[tilespmem:$0xE700] =	vst v63  }
0x45: {  	s12 =	simm.s32 $0x188;
	s11 =	sadd.s32 $0x30, s7  }
0x46: {  	[tilespmem:s12], [sflag:$0x5] =	stream.linear.gather [hbm4b:s11+s2], $0x38, $0x38;
	[tilespmem:$0xE700] =	vst v63  }
0x47: {  	s14 =	simm.s32 $0x1F8;
	s13 =	sadd.s32 $0x40, s7  }
0x48: {  	[tilespmem:s14], [sflag:$0x5] =	stream.linear.gather [hbm4b:s13+s2], $0x38, $0x38;
	[tilespmem:$0xE700] =	vst v63  }
0x49: {  	s17 =	simm.s32 $0x268;
	s15 =	sadd.s32 $0x50, s7  }
0x4a: {  	[tilespmem:s17], [sflag:$0x5] =	stream.linear.gather [hbm4b:s15+s2], $0x38, $0x38;
	[tilespmem:$0xE700] =	vst v63  }
0x4b: {  	s19 =	simm.s32 $0x2D8;
	s18 =	sadd.s32 $0x60, s7  }
0x4c: {  	[tilespmem:s19], [sflag:$0x5] =	stream.linear.gather [hbm4b:s18+s2], $0x38, $0x38;
	[tilespmem:$0xE700] =	vst v63  }
0x4d: {  	s23 =	sadd.s32 $0x70, s7;
	s31 =	simm.s32 $0x348  }
0x4e: {  	[tilespmem:s31], [sflag:$0x5] =	stream.linear.gather [hbm4b:s23+s2], $0x38, $0x38;
	[tilespmem:$0xE700] =	vst v63  }
0x4f: {  	p0 =	por $0x1, $0x1;
	_ =	swait.ge [sflag:s16], $0x1C0  }
0x50: {  	p0 =	por p0, p0;
	[sflag:s16] =	ssyncset.done $0x0  }
0x51: {  	s24 =	simm.s32 @!p0 $0x3;
	[sflag:s16] =	ssyncadd.s32 $0xFFFFFE40  }
0x52: {  	_ =	swait.ge @!p0 [sflag:s24], $0x3800  }
0x53: {  	[sflag:s24] =	ssyncset.done @!p0 $0x0  }
0x54: {  	[sflag:s24] =	ssyncadd.s32 @!p0 $0xFFFFC800  }
0x55: {  	_ =	swait.ge @!p0 [sflag:s24], $0x3800  }
0x56: {  	[sflag:s24] =	ssyncset.done @!p0 $0x0  }
0x57: {  	s7 =	simm.s32 $0x700;
	[sflag:s24] =	ssyncadd.s32 @!p0 $0xFFFFC800  }
0x58: {  	[tilespmem:s7], [sflag:$0x1] =	stream.indirect.gather [hbm4b:s3+s4], $0x20, s2, s4, $0xb8;
	[tilespmem:$0xE700] =	vst v63  }
0x59: {  	s8 =	simm.s32 $0x1500  }
0x5a: {  	[tilespmem:s8], [sflag:$0x1] =	stream.indirect.gather [hbm4b:s3+s4], $0x20, s4, s4, $0xb8;
	[tilespmem:$0xE700] =	vst v63  }
0x5b: {  	s9 =	simm.s32 $0x2300  }
0x5c: {  	[tilespmem:s9], [sflag:$0x1] =	stream.indirect.gather [hbm4b:s3+s4], $0x20, s6, s4, $0xb8;
	[tilespmem:$0xE700] =	vst v63  }
0x5d: {  	s10 =	simm.s32 $0x3100  }
0x5e: {  	[tilespmem:s10], [sflag:$0x1] =	stream.indirect.gather [hbm4b:s3+s4], $0x20, s25, s4, $0xb8;
	[tilespmem:$0xE700] =	vst v63  }
0x5f: {  	s11 =	simm.s32 $0x3F00  }
0x60: {  	[tilespmem:s11], [sflag:$0x1] =	stream.indirect.gather [hbm4b:s3+s4], $0x20, s26, s4, $0xb8;
	[tilespmem:$0xE700] =	vst v63  }
0x61: {  	s12 =	simm.s32 $0x4D00  }
0x62: {  	[tilespmem:s12], [sflag:$0x1] =	stream.indirect.gather [hbm4b:s3+s4], $0x20, s28, s4, $0xb8;
	[tilespmem:$0xE700] =	vst v63  }
0x63: {  	s13 =	simm.s32 $0x5B00;
	s6 =	sld [smem:$0x7FD]  }
0x64: {  	[tilespmem:s13], [sflag:$0x1] =	stream.indirect.gather [hbm4b:s3+s4], $0x20, s29, s4, $0xb8;
	[tilespmem:$0xE700] =	vst v63  }
0x65: {  	s29 =	simm.s32 $0x6900  }
0x66: {  	[tilespmem:s29], [sflag:$0x1] =	stream.indirect.gather [hbm4b:s3+s4], $0x20, s30, s4, $0xb8;
	[tilespmem:$0xE700] =	vst v63  }
0x67: {  	s5 =	sadd.s32 $0xFFFFFF00, s6;
	s28 =	simm.s32 $0x380  }
0x68: {  	[tilespmem:s28], [sflag:$0x5] =	stream.linear.gather [hbm4b:s5+s2], $0x38, $0x38;
	[tilespmem:$0xE700] =	vst v63  }
0x69: {  	s14 =	sadd.s32 $0xFFFFFF10, s6;
	s5 =	simm.s32 $0x3F0  }
0x6a: {  	[tilespmem:s5], [sflag:$0x5] =	stream.linear.gather [hbm4b:s14+s2], $0x38, $0x38;
	[tilespmem:$0xE700] =	vst v63  }
0x6b: {  	s15 =	sadd.s32 $0xFFFFFF20, s6;
	s14 =	simm.s32 $0x460  }
0x6c: {  	[tilespmem:s14], [sflag:$0x5] =	stream.linear.gather [hbm4b:s15+s2], $0x38, $0x38;
	[tilespmem:$0xE700] =	vst v63  }
0x6d: {  	s17 =	sadd.s32 $0xFFFFFF30, s6;
	s15 =	simm.s32 $0x4D0  }
0x6e: {  	[tilespmem:s15], [sflag:$0x5] =	stream.linear.gather [hbm4b:s17+s2], $0x38, $0x38;
	[tilespmem:$0xE700] =	vst v63  }
0x6f: {  	s18 =	sadd.s32 $0xFFFFFF40, s6;
	s17 =	simm.s32 $0x540  }
0x70: {  	[tilespmem:s17], [sflag:$0x5] =	stream.linear.gather [hbm4b:s18+s2], $0x38, $0x38;
	[tilespmem:$0xE700] =	vst v63  }
0x71: {  	s19 =	sadd.s32 $0xFFFFFF50, s6;
	s18 =	simm.s32 $0x5B0  }
0x72: {  	[tilespmem:s18], [sflag:$0x5] =	stream.linear.gather [hbm4b:s19+s2], $0x38, $0x38;
	[tilespmem:$0xE700] =	vst v63  }
0x73: {  	s23 =	sadd.s32 $0xFFFFFF60, s6;
	s19 =	simm.s32 $0x620  }
0x74: {  	[tilespmem:s19], [sflag:$0x5] =	stream.linear.gather [hbm4b:s23+s2], $0x38, $0x38;
	[tilespmem:$0xE700] =	vst v63  }
0x75: {  	s25 =	sadd.s32 $0xFFFFFF70, s6;
	s23 =	simm.s32 $0x690  }
0x76: {  	[tilespmem:s23], [sflag:$0x5] =	stream.linear.gather [hbm4b:s25+s2], $0x38, $0x38;
	[tilespmem:$0xE700] =	vst v63  }
0x77: {  	_ =	swait.ge [sflag:s16], $0x1C0  }
0x78: {  	s0 =	sld [smem:$0x7FC]  }
0x79: {  	[sflag:s16] =	ssyncset.done $0x0  }
0x7a: {  	s26 =	rddreg [dreg:$0x5];
	[sflag:s16] =	ssyncadd.s32 $0xFFFFFE40  }
0x7b: {  	[tilespmem:s26], [sflag:$0x5] =	stream.linear.gather [hbm4b:s0+s2], $0x38, $0x38;
	[tilespmem:$0xE700] =	vst v63  }
0x7c: {  	s25 =	rddreg [dreg:$0x6];
	s31 =	sadd.s32 $0x10, s0  }
0x7d: {  	[tilespmem:s25], [sflag:$0x5] =	stream.linear.gather [hbm4b:s31+s2], $0x38, $0x38;
	[tilespmem:$0xE700] =	vst v63  }
0x7e: {  	s26 =	rddreg [dreg:$0x7];
	s31 =	sadd.s32 $0x20, s0  }
0x7f: {  	[tilespmem:s26], [sflag:$0x5] =	stream.linear.gather [hbm4b:s31+s2], $0x38, $0x38;
	[tilespmem:$0xE700] =	vst v63  }
0x80: {  	s25 =	rddreg [dreg:$0x8];
	s31 =	sadd.s32 $0x30, s0  }
0x81: {  	[tilespmem:s25], [sflag:$0x5] =	stream.linear.gather [hbm4b:s31+s2], $0x38, $0x38;
	[tilespmem:$0xE700] =	vst v63  }
0x82: {  	s26 =	rddreg [dreg:$0x9];
	s31 =	sadd.s32 $0x40, s0  }
0x83: {  	[tilespmem:s26], [sflag:$0x5] =	stream.linear.gather [hbm4b:s31+s2], $0x38, $0x38;
	[tilespmem:$0xE700] =	vst v63  }
0x84: {  	s25 =	rddreg [dreg:$0xa];
	s31 =	sadd.s32 $0x50, s0  }
0x85: {  	[tilespmem:s25], [sflag:$0x5] =	stream.linear.gather [hbm4b:s31+s2], $0x38, $0x38;
	[tilespmem:$0xE700] =	vst v63  }
0x86: {  	s26 =	rddreg [dreg:$0xb];
	s25 =	sadd.s32 $0x60, s0  }
0x87: {  	[tilespmem:s26], [sflag:$0x5] =	stream.linear.gather [hbm4b:s25+s2], $0x38, $0x38;
	[tilespmem:$0xE700] =	vst v63  }
0x88: {  	s31 =	rddreg [dreg:$0xc];
	s26 =	sadd.s32 $0x70, s0  }
0x89: {  	[tilespmem:s31], [sflag:$0x5] =	stream.linear.gather [hbm4b:s26+s2], $0x38, $0x38;
	[tilespmem:$0xE700] =	vst v63  }
0x8a: {  	_ =	swait.ge [sflag:s16], $0x1C0  }
0x8b: {  	[sflag:s16] =	ssyncset.done $0x0  }
0x8c: {  	s24 =	simm.s32 @!p0 $0x4;
	[sflag:s16] =	ssyncadd.s32 $0xFFFFFE40  }
0x8d: {  	_ =	swait.ge @!p0 [sflag:s24], $0x3800  }
0x8e: {  	[sflag:s24] =	ssyncset.done @!p0 $0x0  }
0x8f: {  	[sflag:s24] =	ssyncadd.s32 @!p0 $0xFFFFC800  }
0x90: {  	_ =	swait.ge @!p0 [sflag:s24], $0x3800  }
0x91: {  	[sflag:s24] =	ssyncset.done @!p0 $0x0  }
0x92: {  	s16 =	simm.s32 $0x7700;
	[sflag:s24] =	ssyncadd.s32 @!p0 $0xFFFFC800  }
0x93: {  	[tilespmem:s16], [sflag:$0x2] =	stream.indirect.gather [hbm4b:s3+s4], $0x20, s28, s4, $0xb8;
	[tilespmem:$0xE700] =	vst v63  }
0x94: {  	s30 =	simm.s32 $0x8500  }
0x95: {  	[tilespmem:s30], [sflag:$0x2] =	stream.indirect.gather [hbm4b:s3+s4], $0x20, s5, s4, $0xb8;
	[tilespmem:$0xE700] =	vst v63  }
0x96: {  	s5 =	simm.s32 $0x9300  }
0x97: {  	[tilespmem:s5], [sflag:$0x2] =	stream.indirect.gather [hbm4b:s3+s4], $0x20, s14, s4, $0xb8;
	[tilespmem:$0xE700] =	vst v63  }
0x98: {  	s14 =	simm.s32 $0xA100  }
0x99: {  	[tilespmem:s14], [sflag:$0x2] =	stream.indirect.gather [hbm4b:s3+s4], $0x20, s15, s4, $0xb8;
	[tilespmem:$0xE700] =	vst v63  }
0x9a: {  	s15 =	simm.s32 $0xAF00  }
0x9b: {  	[tilespmem:s15], [sflag:$0x2] =	stream.indirect.gather [hbm4b:s3+s4], $0x20, s17, s4, $0xb8;
	[tilespmem:$0xE700] =	vst v63  }
0x9c: {  	s17 =	simm.s32 $0xBD00  }
0x9d: {  	[tilespmem:s17], [sflag:$0x2] =	stream.indirect.gather [hbm4b:s3+s4], $0x20, s18, s4, $0xb8;
	[tilespmem:$0xE700] =	vst v63  }
0x9e: {  	s18 =	simm.s32 $0xCB00  }
0x9f: {  	[tilespmem:s18], [sflag:$0x2] =	stream.indirect.gather [hbm4b:s3+s4], $0x20, s19, s4, $0xb8;
	[tilespmem:$0xE700] =	vst v63  }
0xa0: {  	p0 =	por $0x0, $0x0;
	s19 =	simm.s32 $0xD900  }
0xa1: {  	[tilespmem:s19], [sflag:$0x2] =	stream.indirect.gather [hbm4b:s3+s4], $0x20, s23, s4, $0xb8;
	[tilespmem:$0xE700] =	vst v63  }
0xa2: {  	s24 =	simm.s32 @!p0 $0x0  }
0xa3: {  	[tilespmem:s24], [sflag:$0x5] =	stream.linear.gather @!p0 [hbm4b:s6+s24], $0x38, $0x38;
	[tilespmem:$0xE700] =	vst v63  }
0xa4: {  	s25 =	sadd.s32 @!p0 $0x10, s6;
	s26 =	simm.s32 @!p0 $0x70  }
0xa5: {  	[tilespmem:s26], [sflag:$0x5] =	stream.linear.gather @!p0 [hbm4b:s25+s24], $0x38, $0x38;
	[tilespmem:$0xE700] =	vst v63  }
0xa6: {  	s25 =	sadd.s32 @!p0 $0x20, s6;
	s26 =	simm.s32 @!p0 $0xE0  }
0xa7: {  	[tilespmem:s26], [sflag:$0x5] =	stream.linear.gather @!p0 [hbm4b:s25+s24], $0x38, $0x38;
	[tilespmem:$0xE700] =	vst v63  }
0xa8: {  	s25 =	sadd.s32 @!p0 $0x30, s6;
	s26 =	simm.s32 @!p0 $0x150  }
0xa9: {  	[tilespmem:s26], [sflag:$0x5] =	stream.linear.gather @!p0 [hbm4b:s25+s24], $0x38, $0x38;
	[tilespmem:$0xE700] =	vst v63  }
0xaa: {  	s25 =	sadd.s32 @!p0 $0x40, s6;
	s26 =	simm.s32 @!p0 $0x1C0  }
0xab: {  	[tilespmem:s26], [sflag:$0x5] =	stream.linear.gather @!p0 [hbm4b:s25+s24], $0x38, $0x38;
	[tilespmem:$0xE700] =	vst v63  }
0xac: {  	s25 =	sadd.s32 @!p0 $0x50, s6;
	s26 =	simm.s32 @!p0 $0x230  }
0xad: {  	[tilespmem:s26], [sflag:$0x5] =	stream.linear.gather @!p0 [hbm4b:s25+s24], $0x38, $0x38;
	[tilespmem:$0xE700] =	vst v63  }
0xae: {  	s25 =	sadd.s32 @!p0 $0x60, s6;
	s26 =	simm.s32 @!p0 $0x2A0  }
0xaf: {  	[tilespmem:s26], [sflag:$0x5] =	stream.linear.gather @!p0 [hbm4b:s25+s24], $0x38, $0x38;
	[tilespmem:$0xE700] =	vst v63  }
0xb0: {  	s28 =	simm.s32 @!p0 $0x5;
	s25 =	sadd.s32 @!p0 $0x70, s6;
	s26 =	simm.s32 @!p0 $0x310  }
0xb1: {  	[tilespmem:s26], [sflag:$0x5] =	stream.linear.gather @!p0 [hbm4b:s25+s24], $0x38, $0x38;
	[tilespmem:$0xE700] =	vst v63  }
0xb2: {  	_ =	swait.ge @!p0 [sflag:s28], $0x1C0  }
0xb3: {  	[sflag:s28] =	ssyncset.done @!p0 $0x0  }
0xb4: {  	s25 =	sadd.s32 @!p0 $0x80, s6;
	s26 =	simm.s32 @!p0 $0x38;
	[sflag:s28] =	ssyncadd.s32 @!p0 $0xFFFFFE40  }
0xb5: {  	[tilespmem:s26], [sflag:$0x5] =	stream.linear.gather @!p0 [hbm4b:s25+s24], $0x38, $0x38;
	[tilespmem:$0xE700] =	vst v63  }
0xb6: {  	s25 =	sadd.s32 @!p0 $0x90, s6;
	s26 =	simm.s32 @!p0 $0xA8  }
0xb7: {  	[tilespmem:s26], [sflag:$0x5] =	stream.linear.gather @!p0 [hbm4b:s25+s24], $0x38, $0x38;
	[tilespmem:$0xE700] =	vst v63  }
0xb8: {  	s25 =	sadd.s32 @!p0 $0xA0, s6;
	s26 =	simm.s32 @!p0 $0x118  }
0xb9: {  	[tilespmem:s26], [sflag:$0x5] =	stream.linear.gather @!p0 [hbm4b:s25+s24], $0x38, $0x38;
	[tilespmem:$0xE700] =	vst v63  }
0xba: {  	s25 =	sadd.s32 @!p0 $0xB0, s6;
	s26 =	simm.s32 @!p0 $0x188  }
0xbb: {  	[tilespmem:s26], [sflag:$0x5] =	stream.linear.gather @!p0 [hbm4b:s25+s24], $0x38, $0x38;
	[tilespmem:$0xE700] =	vst v63  }
0xbc: {  	s25 =	sadd.s32 @!p0 $0xC0, s6;
	s26 =	simm.s32 @!p0 $0x1F8  }
0xbd: {  	[tilespmem:s26], [sflag:$0x5] =	stream.linear.gather @!p0 [hbm4b:s25+s24], $0x38, $0x38;
	[tilespmem:$0xE700] =	vst v63  }
0xbe: {  	s25 =	sadd.s32 @!p0 $0xD0, s6;
	s26 =	simm.s32 @!p0 $0x268  }
0xbf: {  	[tilespmem:s26], [sflag:$0x5] =	stream.linear.gather @!p0 [hbm4b:s25+s24], $0x38, $0x38;
	[tilespmem:$0xE700] =	vst v63  }
0xc0: {  	s25 =	sadd.s32 @!p0 $0xE0, s6;
	s26 =	simm.s32 @!p0 $0x2D8  }
0xc1: {  	[tilespmem:s26], [sflag:$0x5] =	stream.linear.gather @!p0 [hbm4b:s25+s24], $0x38, $0x38;
	[tilespmem:$0xE700] =	vst v63  }
0xc2: {  	s25 =	sadd.s32 @!p0 $0xF0, s6;
	s26 =	simm.s32 @!p0 $0x348  }
0xc3: {  	[tilespmem:s26], [sflag:$0x5] =	stream.linear.gather @!p0 [hbm4b:s25+s24], $0x38, $0x38;
	[tilespmem:$0xE700] =	vst v63  }
0xc4: {  	_ =	swait.ge @!p0 [sflag:s28], $0x1C0  }
0xc5: {  	[sflag:s28] =	ssyncset.done @!p0 $0x0  }
0xc6: {  	[sflag:s28] =	ssyncadd.s32 @!p0 $0xFFFFFE40  }
0xc7: {  	_ =	swait.ge [sflag:s20], $0xE00  }
0xc8: {  	[sflag:s20] =	ssyncset.done $0x0  }
0xc9: {  	[sflag:s20] =	ssyncadd.s32 $0xFFFFF200  }
0xca: {  	_ =	swait.ge [sflag:s20], $0xE00  }
0xcb: {  	[sflag:s20] =	ssyncset.done $0x0  }
0xcc: {  	[sflag:s20] =	ssyncadd.s32 $0xFFFFF200  }
0xcd: {  	_ =	swait.ge [sflag:s20], $0xE00  }
0xce: {  	[sflag:s20] =	ssyncset.done $0x0  }
0xcf: {  	[sflag:s20] =	ssyncadd.s32 $0xFFFFF200  }
0xd0: {  	_ =	swait.ge [sflag:s20], $0xE00  }
0xd1: {  	[sflag:s20] =	ssyncset.done $0x0  }
0xd2: {  	[sflag:s20] =	ssyncadd.s32 $0xFFFFF200  }
0xd3: {  	_ =	swait.ge [sflag:s20], $0xE00  }
0xd4: {  	[sflag:s20] =	ssyncset.done $0x0  }
0xd5: {  	[sflag:s20] =	ssyncadd.s32 $0xFFFFF200  }
0xd6: {  	_ =	swait.ge [sflag:s20], $0xE00  }
0xd7: {  	[sflag:s20] =	ssyncset.done $0x0  }
0xd8: {  	[sflag:s20] =	ssyncadd.s32 $0xFFFFF200  }
0xd9: {  	_ =	swait.ge [sflag:s20], $0xE00  }
0xda: {  	[sflag:s20] =	ssyncset.done $0x0  }
0xdb: {  	[sflag:s20] =	ssyncadd.s32 $0xFFFFF200  }
0xdc: {  	_ =	swait.ge [sflag:s20], $0xE00  }
0xdd: {  	s31 =	rddreg [dreg:$0x4];
	[sflag:s20] =	ssyncset.done $0x0  }
0xde: {  	[sflag:s20] =	ssyncadd.s32 $0xFFFFF200;
	s25 =	sadd.s32 $0x0, s31  }
0xdf: {  	[hbm4b:s25+s21] =	stream.strided.scatter [tilespmem:s7], [sflag:$0x3], $0x700, s22, s21, $0x38;
	[tilespmem:$0xE700] =	vst v63  }
0xe0: {  	s24 =	sadd.s32 $0x380, s25  }
0xe1: {  	[hbm4b:s24+s21] =	stream.strided.scatter [tilespmem:s8], [sflag:$0x3], $0x700, s22, s21, $0x38;
	[tilespmem:$0xE700] =	vst v63  }
0xe2: {  	s8 =	sadd.s32 $0x700, s25  }
0xe3: {  	[hbm4b:s8+s21] =	stream.strided.scatter [tilespmem:s9], [sflag:$0x3], $0x700, s22, s21, $0x38;
	[tilespmem:$0xE700] =	vst v63  }
0xe4: {  	s9 =	sadd.s32 $0xA80, s25  }
0xe5: {  	[hbm4b:s9+s21] =	stream.strided.scatter [tilespmem:s10], [sflag:$0x3], $0x700, s22, s21, $0x38;
	[tilespmem:$0xE700] =	vst v63  }
0xe6: {  	s10 =	sadd.s32 $0xE00, s25  }
0xe7: {  	[hbm4b:s10+s21] =	stream.strided.scatter [tilespmem:s11], [sflag:$0x3], $0x700, s22, s21, $0x38;
	[tilespmem:$0xE700] =	vst v63  }
0xe8: {  	s23 =	sadd.s32 $0x1180, s25  }
0xe9: {  	[hbm4b:s23+s21] =	stream.strided.scatter [tilespmem:s12], [sflag:$0x3], $0x700, s22, s21, $0x38;
	[tilespmem:$0xE700] =	vst v63  }
0xea: {  	s26 =	sadd.s32 $0x1500, s25  }
0xeb: {  	[hbm4b:s26+s21] =	stream.strided.scatter [tilespmem:s13], [sflag:$0x3], $0x700, s22, s21, $0x38;
	[tilespmem:$0xE700] =	vst v63  }
0xec: {  	s31 =	rddreg [dreg:$0x3];
	s7 =	sadd.s32 $0x1880, s25  }
0xed: {  	[hbm4b:s7+s21] =	stream.strided.scatter [tilespmem:s29], [sflag:$0x3], $0x700, s22, s21, $0x38;
	[tilespmem:$0xE700] =	vst v63  }
0xee: {  	s28 =	rddreg [dreg:$0xd];
	s8 =	sadd.s32 $0x0, s31  }
0xef: {  	[hbm4b:s8+s21] =	stream.strided.scatter [tilespmem:s28], [sflag:$0x3], $0x700, s22, s21, $0x38;
	[tilespmem:$0xE700] =	vst v63  }
0xf0: {  	s9 =	rddreg [dreg:$0xe];
	s28 =	sadd.s32 $0x380, s8  }
0xf1: {  	[hbm4b:s28+s21] =	stream.strided.scatter [tilespmem:s9], [sflag:$0x3], $0x700, s22, s21, $0x38;
	[tilespmem:$0xE700] =	vst v63  }
0xf2: {  	s10 =	sadd.s32 $0x700, s8;
	s29 =	rddreg [dreg:$0xf]  }
0xf3: {  	[hbm4b:s10+s21] =	stream.strided.scatter [tilespmem:s29], [sflag:$0x3], $0x700, s22, s21, $0x38;
	[tilespmem:$0xE700] =	vst v63  }
0xf4: {  	s11 =	sadd.s32 $0xA80, s8;
	s28 =	rddreg [dreg:$0x10]  }
0xf5: {  	[hbm4b:s11+s21] =	stream.strided.scatter [tilespmem:s28], [sflag:$0x3], $0x700, s22, s21, $0x38;
	[tilespmem:$0xE700] =	vst v63  }
0xf6: {  	s12 =	sadd.s32 $0xE00, s8;
	s29 =	rddreg [dreg:$0x11]  }
0xf7: {  	[hbm4b:s12+s21] =	stream.strided.scatter [tilespmem:s29], [sflag:$0x3], $0x700, s22, s21, $0x38;
	[tilespmem:$0xE700] =	vst v63  }
0xf8: {  	s13 =	sadd.s32 $0x1180, s8;
	s28 =	rddreg [dreg:$0x12]  }
0xf9: {  	[hbm4b:s13+s21] =	stream.strided.scatter [tilespmem:s28], [sflag:$0x3], $0x700, s22, s21, $0x38;
	[tilespmem:$0xE700] =	vst v63  }
0xfa: {  	s23 =	sadd.s32 $0x1500, s8;
	s29 =	rddreg [dreg:$0x13]  }
0xfb: {  	[hbm4b:s23+s21] =	stream.strided.scatter [tilespmem:s29], [sflag:$0x3], $0x700, s22, s21, $0x38;
	[tilespmem:$0xE700] =	vst v63  }
0xfc: {  	s24 =	sadd.s32 $0x1880, s8;
	s28 =	rddreg [dreg:$0x14]  }
0xfd: {  	[hbm4b:s24+s21] =	stream.strided.scatter [tilespmem:s28], [sflag:$0x3], $0x700, s22, s21, $0x38;
	[tilespmem:$0xE700] =	vst v63  }
0xfe: {  	_ =	swait.ge [sflag:s1], $0xE00  }
0xff: {  	[sflag:s1] =	ssyncset.done $0x0  }
0x100: {  	[sflag:s1] =	ssyncadd.s32 $0xFFFFF200  }
0x101: {  	_ =	swait.ge [sflag:s1], $0xE00  }
0x102: {  	[sflag:s1] =	ssyncset.done $0x0  }
0x103: {  	[sflag:s1] =	ssyncadd.s32 $0xFFFFF200  }
0x104: {  	_ =	swait.ge [sflag:s1], $0xE00  }
0x105: {  	[sflag:s1] =	ssyncset.done $0x0  }
0x106: {  	[sflag:s1] =	ssyncadd.s32 $0xFFFFF200  }
0x107: {  	_ =	swait.ge [sflag:s1], $0xE00  }
0x108: {  	[sflag:s1] =	ssyncset.done $0x0  }
0x109: {  	[sflag:s1] =	ssyncadd.s32 $0xFFFFF200  }
0x10a: {  	_ =	swait.ge [sflag:s1], $0xE00  }
0x10b: {  	[sflag:s1] =	ssyncset.done $0x0  }
0x10c: {  	[sflag:s1] =	ssyncadd.s32 $0xFFFFF200  }
0x10d: {  	_ =	swait.ge [sflag:s1], $0xE00  }
0x10e: {  	[sflag:s1] =	ssyncset.done $0x0  }
0x10f: {  	[sflag:s1] =	ssyncadd.s32 $0xFFFFF200  }
0x110: {  	_ =	swait.ge [sflag:s1], $0xE00  }
0x111: {  	[sflag:s1] =	ssyncset.done $0x0  }
0x112: {  	[sflag:s1] =	ssyncadd.s32 $0xFFFFF200  }
0x113: {  	_ =	swait.ge [sflag:s1], $0xE00  }
0x114: {  	[sflag:s1] =	ssyncset.done $0x0  }
0x115: {  	s26 =	sadd.s32 $0x3800, s25;
	[sflag:s1] =	ssyncadd.s32 $0xFFFFF200  }
0x116: {  	[hbm4b:s26+s21] =	stream.strided.scatter [tilespmem:s16], [sflag:$0x4], $0x700, s22, s21, $0x38;
	[tilespmem:$0xE700] =	vst v63  }
0x117: {  	s31 =	sadd.s32 $0x3B80, s25  }
0x118: {  	[hbm4b:s31+s21] =	stream.strided.scatter [tilespmem:s30], [sflag:$0x4], $0x700, s22, s21, $0x38;
	[tilespmem:$0xE700] =	vst v63  }
0x119: {  	s7 =	sadd.s32 $0x3F00, s25  }
0x11a: {  	[hbm4b:s7+s21] =	stream.strided.scatter [tilespmem:s5], [sflag:$0x4], $0x700, s22, s21, $0x38;
	[tilespmem:$0xE700] =	vst v63  }
0x11b: {  	s8 =	sadd.s32 $0x4280, s25  }
0x11c: {  	[hbm4b:s8+s21] =	stream.strided.scatter [tilespmem:s14], [sflag:$0x4], $0x700, s22, s21, $0x38;
	[tilespmem:$0xE700] =	vst v63  }
0x11d: {  	s9 =	sadd.s32 $0x4600, s25  }
0x11e: {  	[hbm4b:s9+s21] =	stream.strided.scatter [tilespmem:s15], [sflag:$0x4], $0x700, s22, s21, $0x38;
	[tilespmem:$0xE700] =	vst v63  }
0x11f: {  	s10 =	sadd.s32 $0x4980, s25  }
0x120: {  	[hbm4b:s10+s21] =	stream.strided.scatter [tilespmem:s17], [sflag:$0x4], $0x700, s22, s21, $0x38;
	[tilespmem:$0xE700] =	vst v63  }
0x121: {  	s11 =	sadd.s32 $0x4D00, s25  }
0x122: {  	[hbm4b:s11+s21] =	stream.strided.scatter [tilespmem:s18], [sflag:$0x4], $0x700, s22, s21, $0x38;
	[tilespmem:$0xE700] =	vst v63  }
0x123: {  	s12 =	sadd.s32 $0x5080, s25;
	s13 =	rddreg [dreg:$0x15]  }
0x124: {  	[hbm4b:s12+s21] =	stream.strided.scatter [tilespmem:s19], [sflag:$0x4], $0x700, s22, s21, $0x38;
	[tilespmem:$0xE700] =	vst v63  }
0x125: {  	s28 =	rddreg [dreg:$0x16];
	s14 =	sadd.s32 $0x5400, s25  }
0x126: {  	[hbm4b:s14+s21] =	stream.strided.scatter [tilespmem:s13], [sflag:$0x4], $0x700, s22, s21, $0x38;
	[tilespmem:$0xE700] =	vst v63  }
0x127: {  	s29 =	rddreg [dreg:$0x1c];
	s15 =	sadd.s32 $0x5780, s25  }
0x128: {  	[hbm4b:s15+s21] =	stream.strided.scatter [tilespmem:s28], [sflag:$0x4], $0x700, s22, s21, $0x38;
	[tilespmem:$0xE700] =	vst v63  }
0x129: {  	s16 =	rddreg [dreg:$0x17];
	s17 =	sadd.s32 $0x5B00, s25  }
0x12a: {  	[hbm4b:s17+s21] =	stream.strided.scatter [tilespmem:s16], [sflag:$0x4], $0x700, s22, s21, $0x38;
	[tilespmem:$0xE700] =	vst v63  }
0x12b: {  	p6 =	por $0x0, $0x0;
	s18 =	sadd.s32 $0x5E80, s25;
	s28 =	rddreg [dreg:$0x18]  }
0x12c: {  	[hbm4b:s18+s21] =	stream.strided.scatter [tilespmem:s28], [sflag:$0x4], $0x700, s22, s21, $0x38;
	[tilespmem:$0xE700] =	vst v63  }
0x12d: {  	p0 =	por p6, p6;
	s23 =	sadd.s32 $0x6200, s25;
	s19 =	rddreg [dreg:$0x19]  }
0x12e: {  	[hbm4b:s23+s21] =	stream.strided.scatter [tilespmem:s19], [sflag:$0x4], $0x700, s22, s21, $0x38;
	[tilespmem:$0xE700] =	vst v63  }
0x12f: {  	s24 =	simm.s32 $0x7000;
	s26 =	sadd.s32 $0x6580, s25;
	s28 =	rddreg [dreg:$0x1a]  }
0x130: {  	[hbm4b:s26+s21] =	stream.strided.scatter [tilespmem:s28], [sflag:$0x4], $0x700, s22, s21, $0x38;
	[tilespmem:$0xE700] =	vst v63  }
0x131: {  	s31 =	rddreg [dreg:$0x1b];
	s30 =	sadd.s32 $0x6C80, s25;
	s28 =	sadd.s32 $0x6900, s25  }
0x132: {  	[hbm4b:s28+s21] =	stream.strided.scatter [tilespmem:s31], [sflag:$0x4], $0x700, s22, s21, $0x38;
	[tilespmem:$0xE700] =	vst v63  }
0x133: {  	s26 =	sadd.s32 $0x200, s0;
	s25 =	sadd.s32 $0x200, s6;
	s28 =	simm.s32 $0xE000  }
.LBB2_2:
0x134: {  	[hbm4b:s30+s21] =	stream.strided.scatter [tilespmem:s29], [sflag:$0x4], $0x700, s22, s21, $0x38;
	[tilespmem:$0xE700] =	vst v63  }
0x135: {  	s30 =	simm.s32 @!p0 $0x3  }
0x136: {  	_ =	swait.ge @!p0 [sflag:s30], $0x3800  }
0x137: {  	[sflag:s30] =	ssyncset.done @!p0 $0x0  }
0x138: {  	[sflag:s30] =	ssyncadd.s32 @!p0 $0xFFFFC800  }
0x139: {  	_ =	swait.ge @!p0 [sflag:s30], $0x3800  }
0x13a: {  	[sflag:s30] =	ssyncset.done @!p0 $0x0  }
0x13b: {  	s7 =	simm.s32 $0x700;
	[sflag:s30] =	ssyncadd.s32 @!p0 $0xFFFFC800  }
0x13c: {  	[tilespmem:s7], [sflag:$0x1] =	stream.indirect.gather [hbm4b:s3+s4], $0x20, s2, s4, $0xb8;
	[tilespmem:$0xE700] =	vst v63  }
0x13d: {  	s8 =	simm.s32 $0x1500  }
0x13e: {  	[tilespmem:s8], [sflag:$0x1] =	stream.indirect.gather [hbm4b:s3+s4], $0x20, s4, s4, $0xb8;
	[tilespmem:$0xE700] =	vst v63  }
0x13f: {  	s0 =	simm.s32 $0xE0;
	s9 =	simm.s32 $0x2300  }
0x140: {  	[tilespmem:s9], [sflag:$0x1] =	stream.indirect.gather [hbm4b:s3+s4], $0x20, s0, s4, $0xb8;
	[tilespmem:$0xE700] =	vst v63  }
0x141: {  	s18 =	simm.s32 $0x150;
	s11 =	simm.s32 $0x3100  }
0x142: {  	[tilespmem:s11], [sflag:$0x1] =	stream.indirect.gather [hbm4b:s3+s4], $0x20, s18, s4, $0xb8;
	[tilespmem:$0xE700] =	vst v63  }
0x143: {  	s19 =	simm.s32 $0x1C0;
	s12 =	simm.s32 $0x3F00  }
0x144: {  	[tilespmem:s12], [sflag:$0x1] =	stream.indirect.gather [hbm4b:s3+s4], $0x20, s19, s4, $0xb8;
	[tilespmem:$0xE700] =	vst v63  }
0x145: {  	s23 =	simm.s32 $0x230;
	s13 =	simm.s32 $0x4D00  }
0x146: {  	[tilespmem:s13], [sflag:$0x1] =	stream.indirect.gather [hbm4b:s3+s4], $0x20, s23, s4, $0xb8;
	[tilespmem:$0xE700] =	vst v63  }
0x147: {  	s31 =	simm.s32 $0x2A0;
	s5 =	simm.s32 $0x5B00  }
0x148: {  	[tilespmem:s5], [sflag:$0x1] =	stream.indirect.gather [hbm4b:s3+s4], $0x20, s31, s4, $0xb8;
	[tilespmem:$0xE700] =	vst v63  }
0x149: {  	s6 =	simm.s32 $0x6900;
	s5 =	simm.s32 $0x310  }
0x14a: {  	[tilespmem:s6], [sflag:$0x1] =	stream.indirect.gather [hbm4b:s3+s4], $0x20, s5, s4, $0xb8;
	[tilespmem:$0xE700] =	vst v63  }
0x14b: {  	s30 =	sadd.s32 $0xFFFFFF00, s25;
	s6 =	simm.s32 $0x380  }
0x14c: {  	[tilespmem:s6], [sflag:$0x5] =	stream.linear.gather [hbm4b:s30+s2], $0x38, $0x38;
	[tilespmem:$0xE700] =	vst v63  }
0x14d: {  	s5 =	simm.s32 $0x3F0;
	s30 =	sadd.s32 $0xFFFFFF10, s25  }
0x14e: {  	[tilespmem:s5], [sflag:$0x5] =	stream.linear.gather [hbm4b:s30+s2], $0x38, $0x38;
	[tilespmem:$0xE700] =	vst v63  }
0x14f: {  	s14 =	simm.s32 $0x460;
	s30 =	sadd.s32 $0xFFFFFF20, s25  }
0x150: {  	[tilespmem:s14], [sflag:$0x5] =	stream.linear.gather [hbm4b:s30+s2], $0x38, $0x38;
	[tilespmem:$0xE700] =	vst v63  }
0x151: {  	s15 =	simm.s32 $0x4D0;
	s30 =	sadd.s32 $0xFFFFFF30, s25  }
0x152: {  	[tilespmem:s15], [sflag:$0x5] =	stream.linear.gather [hbm4b:s30+s2], $0x38, $0x38;
	[tilespmem:$0xE700] =	vst v63  }
0x153: {  	s17 =	simm.s32 $0x540;
	s30 =	sadd.s32 $0xFFFFFF40, s25  }
0x154: {  	[tilespmem:s17], [sflag:$0x5] =	stream.linear.gather [hbm4b:s30+s2], $0x38, $0x38;
	[tilespmem:$0xE700] =	vst v63  }
0x155: {  	s18 =	simm.s32 $0x5B0;
	s30 =	sadd.s32 $0xFFFFFF50, s25  }
0x156: {  	[tilespmem:s18], [sflag:$0x5] =	stream.linear.gather [hbm4b:s30+s2], $0x38, $0x38;
	[tilespmem:$0xE700] =	vst v63  }
0x157: {  	s19 =	simm.s32 $0x620;
	s30 =	sadd.s32 $0xFFFFFF60, s25  }
0x158: {  	[tilespmem:s19], [sflag:$0x5] =	stream.linear.gather [hbm4b:s30+s2], $0x38, $0x38;
	[tilespmem:$0xE700] =	vst v63  }
0x159: {  	s16 =	simm.s32 $0x5;
	s23 =	simm.s32 $0x690;
	s30 =	sadd.s32 $0xFFFFFF70, s25  }
0x15a: {  	[tilespmem:s23], [sflag:$0x5] =	stream.linear.gather [hbm4b:s30+s2], $0x38, $0x38;
	[tilespmem:$0xE700] =	vst v63  }
0x15b: {  	_ =	swait.ge [sflag:s16], $0x1C0  }
0x15c: {  	[sflag:s16] =	ssyncset.done $0x0  }
0x15d: {  	s30 =	rddreg [dreg:$0x5];
	[sflag:s16] =	ssyncadd.s32 $0xFFFFFE40  }
0x15e: {  	[tilespmem:s30], [sflag:$0x5] =	stream.linear.gather [hbm4b:s26+s2], $0x38, $0x38;
	[tilespmem:$0xE700] =	vst v63  }
0x15f: {  	s31 =	rddreg [dreg:$0x6];
	s30 =	sadd.s32 $0x10, s26  }
0x160: {  	[tilespmem:s31], [sflag:$0x5] =	stream.linear.gather [hbm4b:s30+s2], $0x38, $0x38;
	[tilespmem:$0xE700] =	vst v63  }
0x161: {  	s10 =	rddreg [dreg:$0x7];
	s30 =	sadd.s32 $0x20, s26  }
0x162: {  	[tilespmem:s10], [sflag:$0x5] =	stream.linear.gather [hbm4b:s30+s2], $0x38, $0x38;
	[tilespmem:$0xE700] =	vst v63  }
0x163: {  	s31 =	rddreg [dreg:$0x8];
	s10 =	sadd.s32 $0x30, s26  }
0x164: {  	[tilespmem:s31], [sflag:$0x5] =	stream.linear.gather [hbm4b:s10+s2], $0x38, $0x38;
	[tilespmem:$0xE700] =	vst v63  }
0x165: {  	s30 =	rddreg [dreg:$0x9];
	s10 =	sadd.s32 $0x40, s26  }
0x166: {  	[tilespmem:s30], [sflag:$0x5] =	stream.linear.gather [hbm4b:s10+s2], $0x38, $0x38;
	[tilespmem:$0xE700] =	vst v63  }
0x167: {  	s31 =	rddreg [dreg:$0xa];
	s10 =	sadd.s32 $0x50, s26  }
0x168: {  	[tilespmem:s31], [sflag:$0x5] =	stream.linear.gather [hbm4b:s10+s2], $0x38, $0x38;
	[tilespmem:$0xE700] =	vst v63  }
0x169: {  	s30 =	rddreg [dreg:$0xb];
	s10 =	sadd.s32 $0x60, s26  }
0x16a: {  	[tilespmem:s30], [sflag:$0x5] =	stream.linear.gather [hbm4b:s10+s2], $0x38, $0x38;
	[tilespmem:$0xE700] =	vst v63  }
0x16b: {  	s31 =	rddreg [dreg:$0xc];
	s10 =	sadd.s32 $0x70, s26  }
0x16c: {  	[tilespmem:s31], [sflag:$0x5] =	stream.linear.gather [hbm4b:s10+s2], $0x38, $0x38;
	[tilespmem:$0xE700] =	vst v63  }
0x16d: {  	_ =	swait.ge [sflag:s16], $0x1C0  }
0x16e: {  	[sflag:s16] =	ssyncset.done $0x0  }
0x16f: {  	s0 =	simm.s32 @!p0 $0x4;
	[sflag:s16] =	ssyncadd.s32 $0xFFFFFE40  }
0x170: {  	_ =	swait.ge @!p0 [sflag:s0], $0x3800  }
0x171: {  	[sflag:s0] =	ssyncset.done @!p0 $0x0  }
0x172: {  	[sflag:s0] =	ssyncadd.s32 @!p0 $0xFFFFC800  }
0x173: {  	_ =	swait.ge @!p0 [sflag:s0], $0x3800  }
0x174: {  	[sflag:s0] =	ssyncset.done @!p0 $0x0  }
0x175: {  	s16 =	simm.s32 $0x7700;
	[sflag:s0] =	ssyncadd.s32 @!p0 $0xFFFFC800  }
0x176: {  	[tilespmem:s16], [sflag:$0x2] =	stream.indirect.gather [hbm4b:s3+s4], $0x20, s6, s4, $0xb8;
	[tilespmem:$0xE700] =	vst v63  }
0x177: {  	s10 =	simm.s32 $0x8500  }
0x178: {  	[tilespmem:s10], [sflag:$0x2] =	stream.indirect.gather [hbm4b:s3+s4], $0x20, s5, s4, $0xb8;
	[tilespmem:$0xE700] =	vst v63  }
0x179: {  	s5 =	simm.s32 $0x9300  }
0x17a: {  	[tilespmem:s5], [sflag:$0x2] =	stream.indirect.gather [hbm4b:s3+s4], $0x20, s14, s4, $0xb8;
	[tilespmem:$0xE700] =	vst v63  }
0x17b: {  	s14 =	simm.s32 $0xA100  }
0x17c: {  	[tilespmem:s14], [sflag:$0x2] =	stream.indirect.gather [hbm4b:s3+s4], $0x20, s15, s4, $0xb8;
	[tilespmem:$0xE700] =	vst v63  }
0x17d: {  	s15 =	simm.s32 $0xAF00  }
0x17e: {  	[tilespmem:s15], [sflag:$0x2] =	stream.indirect.gather [hbm4b:s3+s4], $0x20, s17, s4, $0xb8;
	[tilespmem:$0xE700] =	vst v63  }
0x17f: {  	s29 =	smov.u32 s28;
	s17 =	simm.s32 $0xBD00  }
0x180: {  	[tilespmem:s17], [sflag:$0x2] =	stream.indirect.gather [hbm4b:s3+s4], $0x20, s18, s4, $0xb8;
	[tilespmem:$0xE700] =	vst v63  }
0x181: {  	p2 =	seq.s32 s29, $0x0;
	s18 =	simm.s32 $0xCB00  }
0x182: {  	[tilespmem:s18], [sflag:$0x2] =	stream.indirect.gather [hbm4b:s3+s4], $0x20, s19, s4, $0xb8;
	[tilespmem:$0xE700] =	vst v63  }
0x183: {  	p0 =	por p2, p2;
	p2 =	seq.s32 s24, $0x69000;
	s19 =	simm.s32 $0xD900  }
0x184: {  	[tilespmem:s19], [sflag:$0x2] =	stream.indirect.gather [hbm4b:s3+s4], $0x20, s23, s4, $0xb8;
	[tilespmem:$0xE700] =	vst v63  }
0x185: {  	s30 =	simm.s32 @!p2 $0x0  }
0x186: {  	[tilespmem:s30], [sflag:$0x5] =	stream.linear.gather @!p2 [hbm4b:s25+s30], $0x38, $0x38;
	[tilespmem:$0xE700] =	vst v63  }
0x187: {  	s0 =	sadd.s32 @!p2 $0x10, s25;
	s31 =	simm.s32 @!p2 $0x70  }
0x188: {  	[tilespmem:s31], [sflag:$0x5] =	stream.linear.gather @!p2 [hbm4b:s0+s30], $0x38, $0x38;
	[tilespmem:$0xE700] =	vst v63  }
0x189: {  	s0 =	sadd.s32 @!p2 $0x20, s25;
	s31 =	simm.s32 @!p2 $0xE0  }
0x18a: {  	[tilespmem:s31], [sflag:$0x5] =	stream.linear.gather @!p2 [hbm4b:s0+s30], $0x38, $0x38;
	[tilespmem:$0xE700] =	vst v63  }
0x18b: {  	s0 =	sadd.s32 @!p2 $0x30, s25;
	s31 =	simm.s32 @!p2 $0x150  }
0x18c: {  	[tilespmem:s31], [sflag:$0x5] =	stream.linear.gather @!p2 [hbm4b:s0+s30], $0x38, $0x38;
	[tilespmem:$0xE700] =	vst v63  }
0x18d: {  	s0 =	sadd.s32 @!p2 $0x40, s25;
	s31 =	simm.s32 @!p2 $0x1C0  }
0x18e: {  	[tilespmem:s31], [sflag:$0x5] =	stream.linear.gather @!p2 [hbm4b:s0+s30], $0x38, $0x38;
	[tilespmem:$0xE700] =	vst v63  }
0x18f: {  	s0 =	sadd.s32 @!p2 $0x50, s25;
	s31 =	simm.s32 @!p2 $0x230  }
0x190: {  	[tilespmem:s31], [sflag:$0x5] =	stream.linear.gather @!p2 [hbm4b:s0+s30], $0x38, $0x38;
	[tilespmem:$0xE700] =	vst v63  }
0x191: {  	s0 =	sadd.s32 @!p2 $0x60, s25;
	s31 =	simm.s32 @!p2 $0x2A0  }
0x192: {  	[tilespmem:s31], [sflag:$0x5] =	stream.linear.gather @!p2 [hbm4b:s0+s30], $0x38, $0x38;
	[tilespmem:$0xE700] =	vst v63  }
0x193: {  	s6 =	simm.s32 @!p2 $0x5;
	s0 =	sadd.s32 @!p2 $0x70, s25;
	s31 =	simm.s32 @!p2 $0x310  }
0x194: {  	[tilespmem:s31], [sflag:$0x5] =	stream.linear.gather @!p2 [hbm4b:s0+s30], $0x38, $0x38;
	[tilespmem:$0xE700] =	vst v63  }
0x195: {  	_ =	swait.ge @!p2 [sflag:s6], $0x1C0  }
0x196: {  	[sflag:s6] =	ssyncset.done @!p2 $0x0  }
0x197: {  	s0 =	sadd.s32 @!p2 $0x80, s25;
	s31 =	simm.s32 @!p2 $0x38;
	[sflag:s6] =	ssyncadd.s32 @!p2 $0xFFFFFE40  }
0x198: {  	[tilespmem:s31], [sflag:$0x5] =	stream.linear.gather @!p2 [hbm4b:s0+s30], $0x38, $0x38;
	[tilespmem:$0xE700] =	vst v63  }
0x199: {  	s0 =	sadd.s32 @!p2 $0x90, s25;
	s31 =	simm.s32 @!p2 $0xA8  }
0x19a: {  	[tilespmem:s31], [sflag:$0x5] =	stream.linear.gather @!p2 [hbm4b:s0+s30], $0x38, $0x38;
	[tilespmem:$0xE700] =	vst v63  }
0x19b: {  	s0 =	sadd.s32 @!p2 $0xA0, s25;
	s31 =	simm.s32 @!p2 $0x118  }
0x19c: {  	[tilespmem:s31], [sflag:$0x5] =	stream.linear.gather @!p2 [hbm4b:s0+s30], $0x38, $0x38;
	[tilespmem:$0xE700] =	vst v63  }
0x19d: {  	s0 =	sadd.s32 @!p2 $0xB0, s25;
	s31 =	simm.s32 @!p2 $0x188  }
0x19e: {  	[tilespmem:s31], [sflag:$0x5] =	stream.linear.gather @!p2 [hbm4b:s0+s30], $0x38, $0x38;
	[tilespmem:$0xE700] =	vst v63  }
0x19f: {  	s0 =	sadd.s32 @!p2 $0xC0, s25;
	s31 =	simm.s32 @!p2 $0x1F8  }
0x1a0: {  	[tilespmem:s31], [sflag:$0x5] =	stream.linear.gather @!p2 [hbm4b:s0+s30], $0x38, $0x38;
	[tilespmem:$0xE700] =	vst v63  }
0x1a1: {  	s0 =	sadd.s32 @!p2 $0xD0, s25;
	s31 =	simm.s32 @!p2 $0x268  }
0x1a2: {  	[tilespmem:s31], [sflag:$0x5] =	stream.linear.gather @!p2 [hbm4b:s0+s30], $0x38, $0x38;
	[tilespmem:$0xE700] =	vst v63  }
0x1a3: {  	s0 =	sadd.s32 @!p2 $0xE0, s25;
	s31 =	simm.s32 @!p2 $0x2D8  }
0x1a4: {  	[tilespmem:s31], [sflag:$0x5] =	stream.linear.gather @!p2 [hbm4b:s0+s30], $0x38, $0x38;
	[tilespmem:$0xE700] =	vst v63  }
0x1a5: {  	s0 =	sadd.s32 @!p2 $0xF0, s25;
	s31 =	simm.s32 @!p2 $0x348  }
0x1a6: {  	[tilespmem:s31], [sflag:$0x5] =	stream.linear.gather @!p2 [hbm4b:s0+s30], $0x38, $0x38;
	[tilespmem:$0xE700] =	vst v63  }
0x1a7: {  	_ =	swait.ge @!p2 [sflag:s6], $0x1C0  }
0x1a8: {  	[sflag:s6] =	ssyncset.done @!p2 $0x0  }
0x1a9: {  	[sflag:s6] =	ssyncadd.s32 @!p2 $0xFFFFFE40  }
0x1aa: {  	_ =	swait.ge [sflag:s20], $0xE00  }
0x1ab: {  	[sflag:s20] =	ssyncset.done $0x0  }
0x1ac: {  	[sflag:s20] =	ssyncadd.s32 $0xFFFFF200  }
0x1ad: {  	_ =	swait.ge [sflag:s20], $0xE00  }
0x1ae: {  	[sflag:s20] =	ssyncset.done $0x0  }
0x1af: {  	[sflag:s20] =	ssyncadd.s32 $0xFFFFF200  }
0x1b0: {  	_ =	swait.ge [sflag:s20], $0xE00  }
0x1b1: {  	[sflag:s20] =	ssyncset.done $0x0  }
0x1b2: {  	[sflag:s20] =	ssyncadd.s32 $0xFFFFF200  }
0x1b3: {  	_ =	swait.ge [sflag:s20], $0xE00  }
0x1b4: {  	[sflag:s20] =	ssyncset.done $0x0  }
0x1b5: {  	[sflag:s20] =	ssyncadd.s32 $0xFFFFF200  }
0x1b6: {  	_ =	swait.ge [sflag:s20], $0xE00  }
0x1b7: {  	[sflag:s20] =	ssyncset.done $0x0  }
0x1b8: {  	[sflag:s20] =	ssyncadd.s32 $0xFFFFF200  }
0x1b9: {  	_ =	swait.ge [sflag:s20], $0xE00  }
0x1ba: {  	[sflag:s20] =	ssyncset.done $0x0  }
0x1bb: {  	[sflag:s20] =	ssyncadd.s32 $0xFFFFF200  }
0x1bc: {  	_ =	swait.ge [sflag:s20], $0xE00  }
0x1bd: {  	[sflag:s20] =	ssyncset.done $0x0  }
0x1be: {  	[sflag:s20] =	ssyncadd.s32 $0xFFFFF200  }
0x1bf: {  	_ =	swait.ge [sflag:s20], $0xE00  }
0x1c0: {  	s6 =	rddreg [dreg:$0x4];
	[sflag:s20] =	ssyncset.done $0x0  }
0x1c1: {  	[sflag:s20] =	ssyncadd.s32 $0xFFFFF200;
	s30 =	sadd.s32 s24, s6  }
0x1c2: {  	[hbm4b:s30+s21] =	stream.strided.scatter [tilespmem:s7], [sflag:$0x3], $0x700, s22, s21, $0x38;
	[tilespmem:$0xE700] =	vst v63  }
0x1c3: {  	s0 =	sadd.s32 $0x380, s30  }
0x1c4: {  	[hbm4b:s0+s21] =	stream.strided.scatter [tilespmem:s8], [sflag:$0x3], $0x700, s22, s21, $0x38;
	[tilespmem:$0xE700] =	vst v63  }
0x1c5: {  	s8 =	sadd.s32 $0x700, s30  }
0x1c6: {  	[hbm4b:s8+s21] =	stream.strided.scatter [tilespmem:s9], [sflag:$0x3], $0x700, s22, s21, $0x38;
	[tilespmem:$0xE700] =	vst v63  }
0x1c7: {  	s9 =	sadd.s32 $0xA80, s30  }
0x1c8: {  	[hbm4b:s9+s21] =	stream.strided.scatter [tilespmem:s11], [sflag:$0x3], $0x700, s22, s21, $0x38;
	[tilespmem:$0xE700] =	vst v63  }
0x1c9: {  	s11 =	sadd.s32 $0xE00, s30  }
0x1ca: {  	[hbm4b:s11+s21] =	stream.strided.scatter [tilespmem:s12], [sflag:$0x3], $0x700, s22, s21, $0x38;
	[tilespmem:$0xE700] =	vst v63  }
0x1cb: {  	s12 =	sadd.s32 $0x1180, s30  }
0x1cc: {  	[hbm4b:s12+s21] =	stream.strided.scatter [tilespmem:s13], [sflag:$0x3], $0x700, s22, s21, $0x38;
	[tilespmem:$0xE700] =	vst v63  }
0x1cd: {  	s31 =	simm.s32 $0x5B00;
	s13 =	sadd.s32 $0x1500, s30  }
0x1ce: {  	[hbm4b:s13+s21] =	stream.strided.scatter [tilespmem:s31], [sflag:$0x3], $0x700, s22, s21, $0x38;
	[tilespmem:$0xE700] =	vst v63  }
0x1cf: {  	s23 =	rddreg [dreg:$0x3];
	s7 =	sadd.s32 $0x1880, s30;
	s9 =	simm.s32 $0x6900  }
0x1d0: {  	[hbm4b:s7+s21] =	stream.strided.scatter [tilespmem:s9], [sflag:$0x3], $0x700, s22, s21, $0x38;
	[tilespmem:$0xE700] =	vst v63  }
0x1d1: {  	s0 =	sadd.s32 s24, s23;
	s8 =	rddreg [dreg:$0xd]  }
0x1d2: {  	[hbm4b:s0+s21] =	stream.strided.scatter [tilespmem:s8], [sflag:$0x3], $0x700, s22, s21, $0x38;
	[tilespmem:$0xE700] =	vst v63  }
0x1d3: {  	s24 =	smov.u32 s29;
	s29 =	sadd.s32 $0x380, s0;
	s11 =	rddreg [dreg:$0xe]  }
0x1d4: {  	[hbm4b:s29+s21] =	stream.strided.scatter [tilespmem:s11], [sflag:$0x3], $0x700, s22, s21, $0x38;
	[tilespmem:$0xE700] =	vst v63  }
0x1d5: {  	s12 =	rddreg [dreg:$0xf];
	s13 =	sadd.s32 $0x700, s0  }
0x1d6: {  	[hbm4b:s13+s21] =	stream.strided.scatter [tilespmem:s12], [sflag:$0x3], $0x700, s22, s21, $0x38;
	[tilespmem:$0xE700] =	vst v63  }
0x1d7: {  	s23 =	sadd.s32 $0xA80, s0;
	s29 =	rddreg [dreg:$0x10]  }
0x1d8: {  	[hbm4b:s23+s21] =	stream.strided.scatter [tilespmem:s29], [sflag:$0x3], $0x700, s22, s21, $0x38;
	[tilespmem:$0xE700] =	vst v63  }
0x1d9: {  	s7 =	rddreg [dreg:$0x11];
	s8 =	sadd.s32 $0xE00, s0  }
0x1da: {  	[hbm4b:s8+s21] =	stream.strided.scatter [tilespmem:s7], [sflag:$0x3], $0x700, s22, s21, $0x38;
	[tilespmem:$0xE700] =	vst v63  }
0x1db: {  	s9 =	sadd.s32 $0x1180, s0;
	s29 =	rddreg [dreg:$0x12]  }
0x1dc: {  	[hbm4b:s9+s21] =	stream.strided.scatter [tilespmem:s29], [sflag:$0x3], $0x700, s22, s21, $0x38;
	[tilespmem:$0xE700] =	vst v63  }
0x1dd: {  	s11 =	rddreg [dreg:$0x13];
	s12 =	sadd.s32 $0x1500, s0  }
0x1de: {  	[hbm4b:s12+s21] =	stream.strided.scatter [tilespmem:s11], [sflag:$0x3], $0x700, s22, s21, $0x38;
	[tilespmem:$0xE700] =	vst v63  }
0x1df: {  	s0 =	sadd.s32 $0x1880, s0;
	s29 =	rddreg [dreg:$0x14]  }
0x1e0: {  	[hbm4b:s0+s21] =	stream.strided.scatter [tilespmem:s29], [sflag:$0x3], $0x700, s22, s21, $0x38;
	[tilespmem:$0xE700] =	vst v63  }
0x1e1: {  	_ =	swait.ge [sflag:s1], $0xE00  }
0x1e2: {  	[sflag:s1] =	ssyncset.done $0x0  }
0x1e3: {  	[sflag:s1] =	ssyncadd.s32 $0xFFFFF200  }
0x1e4: {  	_ =	swait.ge [sflag:s1], $0xE00  }
0x1e5: {  	[sflag:s1] =	ssyncset.done $0x0  }
0x1e6: {  	[sflag:s1] =	ssyncadd.s32 $0xFFFFF200  }
0x1e7: {  	_ =	swait.ge [sflag:s1], $0xE00  }
0x1e8: {  	[sflag:s1] =	ssyncset.done $0x0  }
0x1e9: {  	[sflag:s1] =	ssyncadd.s32 $0xFFFFF200  }
0x1ea: {  	_ =	swait.ge [sflag:s1], $0xE00  }
0x1eb: {  	[sflag:s1] =	ssyncset.done $0x0  }
0x1ec: {  	[sflag:s1] =	ssyncadd.s32 $0xFFFFF200  }
0x1ed: {  	_ =	swait.ge [sflag:s1], $0xE00  }
0x1ee: {  	[sflag:s1] =	ssyncset.done $0x0  }
0x1ef: {  	[sflag:s1] =	ssyncadd.s32 $0xFFFFF200  }
0x1f0: {  	_ =	swait.ge [sflag:s1], $0xE00  }
0x1f1: {  	[sflag:s1] =	ssyncset.done $0x0  }
0x1f2: {  	[sflag:s1] =	ssyncadd.s32 $0xFFFFF200  }
0x1f3: {  	_ =	swait.ge [sflag:s1], $0xE00  }
0x1f4: {  	[sflag:s1] =	ssyncset.done $0x0  }
0x1f5: {  	[sflag:s1] =	ssyncadd.s32 $0xFFFFF200  }
0x1f6: {  	_ =	swait.ge [sflag:s1], $0xE00  }
0x1f7: {  	[sflag:s1] =	ssyncset.done $0x0  }
0x1f8: {  	s13 =	sadd.s32 $0x3800, s30;
	[sflag:s1] =	ssyncadd.s32 $0xFFFFF200  }
0x1f9: {  	[hbm4b:s13+s21] =	stream.strided.scatter [tilespmem:s16], [sflag:$0x4], $0x700, s22, s21, $0x38;
	[tilespmem:$0xE700] =	vst v63  }
0x1fa: {  	s23 =	sadd.s32 $0x3B80, s30  }
0x1fb: {  	[hbm4b:s23+s21] =	stream.strided.scatter [tilespmem:s10], [sflag:$0x4], $0x700, s22, s21, $0x38;
	[tilespmem:$0xE700] =	vst v63  }
0x1fc: {  	s31 =	sadd.s32 $0x3F00, s30  }
0x1fd: {  	[hbm4b:s31+s21] =	stream.strided.scatter [tilespmem:s5], [sflag:$0x4], $0x700, s22, s21, $0x38;
	[tilespmem:$0xE700] =	vst v63  }
0x1fe: {  	s6 =	sadd.s32 $0x4280, s30  }
0x1ff: {  	[hbm4b:s6+s21] =	stream.strided.scatter [tilespmem:s14], [sflag:$0x4], $0x700, s22, s21, $0x38;
	[tilespmem:$0xE700] =	vst v63  }
0x200: {  	s7 =	sadd.s32 $0x4600, s30  }
0x201: {  	[hbm4b:s7+s21] =	stream.strided.scatter [tilespmem:s15], [sflag:$0x4], $0x700, s22, s21, $0x38;
	[tilespmem:$0xE700] =	vst v63  }
0x202: {  	s8 =	sadd.s32 $0x4980, s30  }
0x203: {  	[hbm4b:s8+s21] =	stream.strided.scatter [tilespmem:s17], [sflag:$0x4], $0x700, s22, s21, $0x38;
	[tilespmem:$0xE700] =	vst v63  }
0x204: {  	s9 =	sadd.s32 $0x4D00, s30  }
0x205: {  	[hbm4b:s9+s21] =	stream.strided.scatter [tilespmem:s18], [sflag:$0x4], $0x700, s22, s21, $0x38;
	[tilespmem:$0xE700] =	vst v63  }
0x206: {  	s10 =	sadd.s32 $0x5080, s30  }
0x207: {  	[hbm4b:s10+s21] =	stream.strided.scatter [tilespmem:s19], [sflag:$0x4], $0x700, s22, s21, $0x38;
	[tilespmem:$0xE700] =	vst v63  }
0x208: {  	s12 =	sadd.s32 $0x5400, s30;
	s11 =	rddreg [dreg:$0x15]  }
0x209: {  	[hbm4b:s12+s21] =	stream.strided.scatter [tilespmem:s11], [sflag:$0x4], $0x700, s22, s21, $0x38;
	[tilespmem:$0xE700] =	vst v63  }
0x20a: {  	s29 =	rddreg [dreg:$0x16];
	s13 =	sadd.s32 $0x5780, s30  }
0x20b: {  	[hbm4b:s13+s21] =	stream.strided.scatter [tilespmem:s29], [sflag:$0x4], $0x700, s22, s21, $0x38;
	[tilespmem:$0xE700] =	vst v63  }
0x20c: {  	s14 =	rddreg [dreg:$0x17];
	s15 =	sadd.s32 $0x5B00, s30  }
0x20d: {  	[hbm4b:s15+s21] =	stream.strided.scatter [tilespmem:s14], [sflag:$0x4], $0x700, s22, s21, $0x38;
	[tilespmem:$0xE700] =	vst v63  }
0x20e: {  	s28 =	sadd.s32 $0x7000, s28;
	s16 =	sadd.s32 $0x5E80, s30;
	s29 =	rddreg [dreg:$0x18]  }
0x20f: {  	[hbm4b:s16+s21] =	stream.strided.scatter [tilespmem:s29], [sflag:$0x4], $0x700, s22, s21, $0x38;
	[tilespmem:$0xE700] =	vst v63  }
0x210: {  	p1 =	sne.s32 s28, $0x70000;
	s17 =	rddreg [dreg:$0x19];
	s18 =	sadd.s32 $0x6200, s30  }
0x211: {  	[hbm4b:s18+s21] =	stream.strided.scatter [tilespmem:s17], [sflag:$0x4], $0x700, s22, s21, $0x38;
	[tilespmem:$0xE700] =	vst v63  }
.Ltmp0:
0x212: {  	s26 =	sadd.s32 $0x200, s26;
	s23 =	rddreg [dreg:$0x1b];
	(pc) =	sbr.rel @p1 .LBB2_2-.Ltmp0, $4  }
0x213: {  	s25 =	sadd.s32 $0x200, s25;
	s19 =	sadd.s32 $0x6580, s30;
	s29 =	rddreg [dreg:$0x1a]  }
0x214: {  	[hbm4b:s19+s21] =	stream.strided.scatter [tilespmem:s29], [sflag:$0x4], $0x700, s22, s21, $0x38;
	[tilespmem:$0xE700] =	vst v63  }
0x215: {  	s31 =	sadd.s32 $0x6900, s30;
	s30 =	sadd.s32 $0x6C80, s30;
	s29 =	rddreg [dreg:$0x1c]  }
0x216: {  	[hbm4b:s31+s21] =	stream.strided.scatter [tilespmem:s23], [sflag:$0x4], $0x700, s22, s21, $0x38;
	[tilespmem:$0xE700] =	vst v63  }
0x217: {  	[hbm4b:s30+s21] =	stream.strided.scatter [tilespmem:s29], [sflag:$0x4], $0x700, s22, s21, $0x38;
	[tilespmem:$0xE700] =	vst v63  }
0x218: {  	s0 =	simm.s32 @!p0 $0x3  }
0x219: {  	_ =	swait.ge @!p0 [sflag:s0], $0x3800  }
0x21a: {  	[sflag:s0] =	ssyncset.done @!p0 $0x0  }
0x21b: {  	[sflag:s0] =	ssyncadd.s32 @!p0 $0xFFFFC800  }
0x21c: {  	_ =	swait.ge @!p0 [sflag:s0], $0x3800  }
0x21d: {  	[sflag:s0] =	ssyncset.done @!p0 $0x0  }
0x21e: {  	s7 =	simm.s32 $0x700;
	[sflag:s0] =	ssyncadd.s32 @!p0 $0xFFFFC800  }
0x21f: {  	[tilespmem:s7], [sflag:$0x1] =	stream.indirect.gather [hbm4b:s3+s4], $0x20, s2, s4, $0xb8;
	[tilespmem:$0xE700] =	vst v63  }
0x220: {  	s8 =	simm.s32 $0x1500  }
0x221: {  	[tilespmem:s8], [sflag:$0x1] =	stream.indirect.gather [hbm4b:s3+s4], $0x20, s4, s4, $0xb8;
	[tilespmem:$0xE700] =	vst v63  }
0x222: {  	s10 =	simm.s32 $0xE0;
	s9 =	simm.s32 $0x2300  }
0x223: {  	[tilespmem:s9], [sflag:$0x1] =	stream.indirect.gather [hbm4b:s3+s4], $0x20, s10, s4, $0xb8;
	[tilespmem:$0xE700] =	vst v63  }
0x224: {  	s11 =	simm.s32 $0x150;
	s10 =	simm.s32 $0x3100  }
0x225: {  	[tilespmem:s10], [sflag:$0x1] =	stream.indirect.gather [hbm4b:s3+s4], $0x20, s11, s4, $0xb8;
	[tilespmem:$0xE700] =	vst v63  }
0x226: {  	s12 =	simm.s32 $0x1C0;
	s11 =	simm.s32 $0x3F00  }
0x227: {  	[tilespmem:s11], [sflag:$0x1] =	stream.indirect.gather [hbm4b:s3+s4], $0x20, s12, s4, $0xb8;
	[tilespmem:$0xE700] =	vst v63  }
0x228: {  	s13 =	simm.s32 $0x230;
	s12 =	simm.s32 $0x4D00  }
0x229: {  	[tilespmem:s12], [sflag:$0x1] =	stream.indirect.gather [hbm4b:s3+s4], $0x20, s13, s4, $0xb8;
	[tilespmem:$0xE700] =	vst v63  }
0x22a: {  	s14 =	simm.s32 $0x2A0;
	s13 =	simm.s32 $0x5B00  }
0x22b: {  	[tilespmem:s13], [sflag:$0x1] =	stream.indirect.gather [hbm4b:s3+s4], $0x20, s14, s4, $0xb8;
	[tilespmem:$0xE700] =	vst v63  }
0x22c: {  	s15 =	simm.s32 $0x310;
	s16 =	simm.s32 $0x6900  }
0x22d: {  	[tilespmem:s16], [sflag:$0x1] =	stream.indirect.gather [hbm4b:s3+s4], $0x20, s15, s4, $0xb8;
	[tilespmem:$0xE700] =	vst v63  }
0x22e: {  	s17 =	sadd.s32 $0xFFFFFF00, s25;
	s29 =	simm.s32 $0x380  }
0x22f: {  	[tilespmem:s29], [sflag:$0x5] =	stream.linear.gather [hbm4b:s17+s2], $0x38, $0x38;
	[tilespmem:$0xE700] =	vst v63  }
0x230: {  	s18 =	sadd.s32 $0xFFFFFF10, s25;
	s5 =	simm.s32 $0x3F0  }
0x231: {  	[tilespmem:s5], [sflag:$0x5] =	stream.linear.gather [hbm4b:s18+s2], $0x38, $0x38;
	[tilespmem:$0xE700] =	vst v63  }
0x232: {  	s19 =	sadd.s32 $0xFFFFFF20, s25;
	s14 =	simm.s32 $0x460  }
0x233: {  	[tilespmem:s14], [sflag:$0x5] =	stream.linear.gather [hbm4b:s19+s2], $0x38, $0x38;
	[tilespmem:$0xE700] =	vst v63  }
0x234: {  	s23 =	sadd.s32 $0xFFFFFF30, s25;
	s15 =	simm.s32 $0x4D0  }
0x235: {  	[tilespmem:s15], [sflag:$0x5] =	stream.linear.gather [hbm4b:s23+s2], $0x38, $0x38;
	[tilespmem:$0xE700] =	vst v63  }
0x236: {  	s28 =	sadd.s32 $0xFFFFFF40, s25;
	s17 =	simm.s32 $0x540  }
0x237: {  	[tilespmem:s17], [sflag:$0x5] =	stream.linear.gather [hbm4b:s28+s2], $0x38, $0x38;
	[tilespmem:$0xE700] =	vst v63  }
0x238: {  	s30 =	sadd.s32 $0xFFFFFF50, s25;
	s18 =	simm.s32 $0x5B0  }
0x239: {  	[tilespmem:s18], [sflag:$0x5] =	stream.linear.gather [hbm4b:s30+s2], $0x38, $0x38;
	[tilespmem:$0xE700] =	vst v63  }
0x23a: {  	s31 =	sadd.s32 $0xFFFFFF60, s25;
	s19 =	simm.s32 $0x620  }
0x23b: {  	[tilespmem:s19], [sflag:$0x5] =	stream.linear.gather [hbm4b:s31+s2], $0x38, $0x38;
	[tilespmem:$0xE700] =	vst v63  }
0x23c: {  	s6 =	sadd.s32 $0xFFFFFF70, s25;
	s23 =	simm.s32 $0x690;
	s30 =	simm.s32 $0x5  }
0x23d: {  	[tilespmem:s23], [sflag:$0x5] =	stream.linear.gather [hbm4b:s6+s2], $0x38, $0x38;
	[tilespmem:$0xE700] =	vst v63  }
0x23e: {  	_ =	swait.ge [sflag:s30], $0x1C0  }
0x23f: {  	[sflag:s30] =	ssyncset.done $0x0  }
0x240: {  	s28 =	rddreg [dreg:$0x5];
	[sflag:s30] =	ssyncadd.s32 $0xFFFFFE40  }
0x241: {  	[tilespmem:s28], [sflag:$0x5] =	stream.linear.gather [hbm4b:s26+s2], $0x38, $0x38;
	[tilespmem:$0xE700] =	vst v63  }
0x242: {  	s31 =	sadd.s32 $0x10, s26;
	s6 =	rddreg [dreg:$0x6]  }
0x243: {  	[tilespmem:s6], [sflag:$0x5] =	stream.linear.gather [hbm4b:s31+s2], $0x38, $0x38;
	[tilespmem:$0xE700] =	vst v63  }
0x244: {  	s28 =	rddreg [dreg:$0x7];
	s31 =	sadd.s32 $0x20, s26  }
0x245: {  	[tilespmem:s28], [sflag:$0x5] =	stream.linear.gather [hbm4b:s31+s2], $0x38, $0x38;
	[tilespmem:$0xE700] =	vst v63  }
0x246: {  	s6 =	rddreg [dreg:$0x8];
	s31 =	sadd.s32 $0x30, s26  }
0x247: {  	[tilespmem:s6], [sflag:$0x5] =	stream.linear.gather [hbm4b:s31+s2], $0x38, $0x38;
	[tilespmem:$0xE700] =	vst v63  }
0x248: {  	s28 =	rddreg [dreg:$0x9];
	s31 =	sadd.s32 $0x40, s26  }
0x249: {  	[tilespmem:s28], [sflag:$0x5] =	stream.linear.gather [hbm4b:s31+s2], $0x38, $0x38;
	[tilespmem:$0xE700] =	vst v63  }
0x24a: {  	s6 =	rddreg [dreg:$0xa];
	s31 =	sadd.s32 $0x50, s26  }
0x24b: {  	[tilespmem:s6], [sflag:$0x5] =	stream.linear.gather [hbm4b:s31+s2], $0x38, $0x38;
	[tilespmem:$0xE700] =	vst v63  }
0x24c: {  	s28 =	rddreg [dreg:$0xb];
	s6 =	sadd.s32 $0x60, s26  }
0x24d: {  	[tilespmem:s28], [sflag:$0x5] =	stream.linear.gather [hbm4b:s6+s2], $0x38, $0x38;
	[tilespmem:$0xE700] =	vst v63  }
0x24e: {  	s31 =	rddreg [dreg:$0xc];
	s28 =	sadd.s32 $0x70, s26  }
0x24f: {  	[tilespmem:s31], [sflag:$0x5] =	stream.linear.gather [hbm4b:s28+s2], $0x38, $0x38;
	[tilespmem:$0xE700] =	vst v63  }
0x250: {  	_ =	swait.ge [sflag:s30], $0x1C0  }
0x251: {  	[sflag:s30] =	ssyncset.done $0x0  }
0x252: {  	s0 =	simm.s32 @!p0 $0x4;
	[sflag:s30] =	ssyncadd.s32 $0xFFFFFE40  }
0x253: {  	_ =	swait.ge @!p0 [sflag:s0], $0x3800  }
0x254: {  	[sflag:s0] =	ssyncset.done @!p0 $0x0  }
0x255: {  	[sflag:s0] =	ssyncadd.s32 @!p0 $0xFFFFC800  }
0x256: {  	_ =	swait.ge @!p0 [sflag:s0], $0x3800  }
0x257: {  	[sflag:s0] =	ssyncset.done @!p0 $0x0  }
0x258: {  	s30 =	simm.s32 $0x7700;
	[sflag:s0] =	ssyncadd.s32 @!p0 $0xFFFFC800  }
0x259: {  	[tilespmem:s30], [sflag:$0x2] =	stream.indirect.gather [hbm4b:s3+s4], $0x20, s29, s4, $0xb8;
	[tilespmem:$0xE700] =	vst v63  }
0x25a: {  	s29 =	simm.s32 $0x8500  }
0x25b: {  	[tilespmem:s29], [sflag:$0x2] =	stream.indirect.gather [hbm4b:s3+s4], $0x20, s5, s4, $0xb8;
	[tilespmem:$0xE700] =	vst v63  }
0x25c: {  	s5 =	simm.s32 $0x9300  }
0x25d: {  	[tilespmem:s5], [sflag:$0x2] =	stream.indirect.gather [hbm4b:s3+s4], $0x20, s14, s4, $0xb8;
	[tilespmem:$0xE700] =	vst v63  }
0x25e: {  	s14 =	simm.s32 $0xA100  }
0x25f: {  	[tilespmem:s14], [sflag:$0x2] =	stream.indirect.gather [hbm4b:s3+s4], $0x20, s15, s4, $0xb8;
	[tilespmem:$0xE700] =	vst v63  }
0x260: {  	s15 =	simm.s32 $0xAF00  }
0x261: {  	[tilespmem:s15], [sflag:$0x2] =	stream.indirect.gather [hbm4b:s3+s4], $0x20, s17, s4, $0xb8;
	[tilespmem:$0xE700] =	vst v63  }
0x262: {  	s17 =	simm.s32 $0xBD00  }
0x263: {  	[tilespmem:s17], [sflag:$0x2] =	stream.indirect.gather [hbm4b:s3+s4], $0x20, s18, s4, $0xb8;
	[tilespmem:$0xE700] =	vst v63  }
0x264: {  	s18 =	simm.s32 $0xCB00  }
0x265: {  	[tilespmem:s18], [sflag:$0x2] =	stream.indirect.gather [hbm4b:s3+s4], $0x20, s19, s4, $0xb8;
	[tilespmem:$0xE700] =	vst v63  }
0x266: {  	p0 =	seq.s32 s24, $0x69000;
	s19 =	simm.s32 $0xD900  }
0x267: {  	[tilespmem:s19], [sflag:$0x2] =	stream.indirect.gather [hbm4b:s3+s4], $0x20, s23, s4, $0xb8;
	[tilespmem:$0xE700] =	vst v63  }
0x268: {  	s0 =	simm.s32 @!p0 $0x0  }
0x269: {  	[tilespmem:s0], [sflag:$0x5] =	stream.linear.gather @!p0 [hbm4b:s25+s0], $0x38, $0x38;
	[tilespmem:$0xE700] =	vst v63  }
0x26a: {  	s6 =	sadd.s32 @!p0 $0x10, s25;
	s26 =	simm.s32 @!p0 $0x70  }
0x26b: {  	[tilespmem:s26], [sflag:$0x5] =	stream.linear.gather @!p0 [hbm4b:s6+s0], $0x38, $0x38;
	[tilespmem:$0xE700] =	vst v63  }
0x26c: {  	s6 =	sadd.s32 @!p0 $0x20, s25;
	s26 =	simm.s32 @!p0 $0xE0  }
0x26d: {  	[tilespmem:s26], [sflag:$0x5] =	stream.linear.gather @!p0 [hbm4b:s6+s0], $0x38, $0x38;
	[tilespmem:$0xE700] =	vst v63  }
0x26e: {  	s6 =	sadd.s32 @!p0 $0x30, s25;
	s26 =	simm.s32 @!p0 $0x150  }
0x26f: {  	[tilespmem:s26], [sflag:$0x5] =	stream.linear.gather @!p0 [hbm4b:s6+s0], $0x38, $0x38;
	[tilespmem:$0xE700] =	vst v63  }
0x270: {  	s6 =	sadd.s32 @!p0 $0x40, s25;
	s26 =	simm.s32 @!p0 $0x1C0  }
0x271: {  	[tilespmem:s26], [sflag:$0x5] =	stream.linear.gather @!p0 [hbm4b:s6+s0], $0x38, $0x38;
	[tilespmem:$0xE700] =	vst v63  }
0x272: {  	s6 =	sadd.s32 @!p0 $0x50, s25;
	s26 =	simm.s32 @!p0 $0x230  }
0x273: {  	[tilespmem:s26], [sflag:$0x5] =	stream.linear.gather @!p0 [hbm4b:s6+s0], $0x38, $0x38;
	[tilespmem:$0xE700] =	vst v63  }
0x274: {  	s6 =	sadd.s32 @!p0 $0x60, s25;
	s26 =	simm.s32 @!p0 $0x2A0  }
0x275: {  	[tilespmem:s26], [sflag:$0x5] =	stream.linear.gather @!p0 [hbm4b:s6+s0], $0x38, $0x38;
	[tilespmem:$0xE700] =	vst v63  }
0x276: {  	s28 =	simm.s32 @!p0 $0x5;
	s6 =	sadd.s32 @!p0 $0x70, s25;
	s26 =	simm.s32 @!p0 $0x310  }
0x277: {  	[tilespmem:s26], [sflag:$0x5] =	stream.linear.gather @!p0 [hbm4b:s6+s0], $0x38, $0x38;
	[tilespmem:$0xE700] =	vst v63  }
0x278: {  	_ =	swait.ge @!p0 [sflag:s28], $0x1C0  }
0x279: {  	[sflag:s28] =	ssyncset.done @!p0 $0x0  }
0x27a: {  	s6 =	sadd.s32 @!p0 $0x80, s25;
	s26 =	simm.s32 @!p0 $0x38;
	[sflag:s28] =	ssyncadd.s32 @!p0 $0xFFFFFE40  }
0x27b: {  	[tilespmem:s26], [sflag:$0x5] =	stream.linear.gather @!p0 [hbm4b:s6+s0], $0x38, $0x38;
	[tilespmem:$0xE700] =	vst v63  }
0x27c: {  	s6 =	sadd.s32 @!p0 $0x90, s25;
	s26 =	simm.s32 @!p0 $0xA8  }
0x27d: {  	[tilespmem:s26], [sflag:$0x5] =	stream.linear.gather @!p0 [hbm4b:s6+s0], $0x38, $0x38;
	[tilespmem:$0xE700] =	vst v63  }
0x27e: {  	s6 =	sadd.s32 @!p0 $0xA0, s25;
	s26 =	simm.s32 @!p0 $0x118  }
0x27f: {  	[tilespmem:s26], [sflag:$0x5] =	stream.linear.gather @!p0 [hbm4b:s6+s0], $0x38, $0x38;
	[tilespmem:$0xE700] =	vst v63  }
0x280: {  	s6 =	sadd.s32 @!p0 $0xB0, s25;
	s26 =	simm.s32 @!p0 $0x188  }
0x281: {  	[tilespmem:s26], [sflag:$0x5] =	stream.linear.gather @!p0 [hbm4b:s6+s0], $0x38, $0x38;
	[tilespmem:$0xE700] =	vst v63  }
0x282: {  	s6 =	sadd.s32 @!p0 $0xC0, s25;
	s26 =	simm.s32 @!p0 $0x1F8  }
0x283: {  	[tilespmem:s26], [sflag:$0x5] =	stream.linear.gather @!p0 [hbm4b:s6+s0], $0x38, $0x38;
	[tilespmem:$0xE700] =	vst v63  }
0x284: {  	s6 =	sadd.s32 @!p0 $0xD0, s25;
	s26 =	simm.s32 @!p0 $0x268  }
0x285: {  	[tilespmem:s26], [sflag:$0x5] =	stream.linear.gather @!p0 [hbm4b:s6+s0], $0x38, $0x38;
	[tilespmem:$0xE700] =	vst v63  }
0x286: {  	s6 =	sadd.s32 @!p0 $0xE0, s25;
	s26 =	simm.s32 @!p0 $0x2D8  }
0x287: {  	[tilespmem:s26], [sflag:$0x5] =	stream.linear.gather @!p0 [hbm4b:s6+s0], $0x38, $0x38;
	[tilespmem:$0xE700] =	vst v63  }
0x288: {  	s6 =	sadd.s32 @!p0 $0xF0, s25;
	s25 =	simm.s32 @!p0 $0x348  }
0x289: {  	[tilespmem:s25], [sflag:$0x5] =	stream.linear.gather @!p0 [hbm4b:s6+s0], $0x38, $0x38;
	[tilespmem:$0xE700] =	vst v63  }
0x28a: {  	_ =	swait.ge @!p0 [sflag:s28], $0x1C0  }
0x28b: {  	[sflag:s28] =	ssyncset.done @!p0 $0x0  }
0x28c: {  	[sflag:s28] =	ssyncadd.s32 @!p0 $0xFFFFFE40  }
0x28d: {  	_ =	swait.ge [sflag:s20], $0xE00  }
0x28e: {  	[sflag:s20] =	ssyncset.done $0x0  }
0x28f: {  	[sflag:s20] =	ssyncadd.s32 $0xFFFFF200  }
0x290: {  	_ =	swait.ge [sflag:s20], $0xE00  }
0x291: {  	[sflag:s20] =	ssyncset.done $0x0  }
0x292: {  	[sflag:s20] =	ssyncadd.s32 $0xFFFFF200  }
0x293: {  	_ =	swait.ge [sflag:s20], $0xE00  }
0x294: {  	[sflag:s20] =	ssyncset.done $0x0  }
0x295: {  	[sflag:s20] =	ssyncadd.s32 $0xFFFFF200  }
0x296: {  	_ =	swait.ge [sflag:s20], $0xE00  }
0x297: {  	[sflag:s20] =	ssyncset.done $0x0  }
0x298: {  	[sflag:s20] =	ssyncadd.s32 $0xFFFFF200  }
0x299: {  	_ =	swait.ge [sflag:s20], $0xE00  }
0x29a: {  	[sflag:s20] =	ssyncset.done $0x0  }
0x29b: {  	[sflag:s20] =	ssyncadd.s32 $0xFFFFF200  }
0x29c: {  	_ =	swait.ge [sflag:s20], $0xE00  }
0x29d: {  	[sflag:s20] =	ssyncset.done $0x0  }
0x29e: {  	[sflag:s20] =	ssyncadd.s32 $0xFFFFF200  }
0x29f: {  	_ =	swait.ge [sflag:s20], $0xE00  }
0x2a0: {  	[sflag:s20] =	ssyncset.done $0x0  }
0x2a1: {  	[sflag:s20] =	ssyncadd.s32 $0xFFFFF200  }
0x2a2: {  	_ =	swait.ge [sflag:s20], $0xE00  }
0x2a3: {  	s31 =	rddreg [dreg:$0x4];
	[sflag:s20] =	ssyncset.done $0x0  }
0x2a4: {  	[sflag:s20] =	ssyncadd.s32 $0xFFFFF200;
	s25 =	sadd.s32 s24, s31  }
0x2a5: {  	[hbm4b:s25+s21] =	stream.strided.scatter [tilespmem:s7], [sflag:$0x3], $0x700, s22, s21, $0x38;
	[tilespmem:$0xE700] =	vst v63  }
0x2a6: {  	s0 =	sadd.s32 $0x380, s25  }
0x2a7: {  	[hbm4b:s0+s21] =	stream.strided.scatter [tilespmem:s8], [sflag:$0x3], $0x700, s22, s21, $0x38;
	[tilespmem:$0xE700] =	vst v63  }
0x2a8: {  	s6 =	sadd.s32 $0x700, s25  }
0x2a9: {  	[hbm4b:s6+s21] =	stream.strided.scatter [tilespmem:s9], [sflag:$0x3], $0x700, s22, s21, $0x38;
	[tilespmem:$0xE700] =	vst v63  }
0x2aa: {  	s7 =	sadd.s32 $0xA80, s25  }
0x2ab: {  	[hbm4b:s7+s21] =	stream.strided.scatter [tilespmem:s10], [sflag:$0x3], $0x700, s22, s21, $0x38;
	[tilespmem:$0xE700] =	vst v63  }
0x2ac: {  	s8 =	sadd.s32 $0xE00, s25  }
0x2ad: {  	[hbm4b:s8+s21] =	stream.strided.scatter [tilespmem:s11], [sflag:$0x3], $0x700, s22, s21, $0x38;
	[tilespmem:$0xE700] =	vst v63  }
0x2ae: {  	s9 =	sadd.s32 $0x1180, s25  }
0x2af: {  	[hbm4b:s9+s21] =	stream.strided.scatter [tilespmem:s12], [sflag:$0x3], $0x700, s22, s21, $0x38;
	[tilespmem:$0xE700] =	vst v63  }
0x2b0: {  	s10 =	sadd.s32 $0x1500, s25  }
0x2b1: {  	[hbm4b:s10+s21] =	stream.strided.scatter [tilespmem:s13], [sflag:$0x3], $0x700, s22, s21, $0x38;
	[tilespmem:$0xE700] =	vst v63  }
0x2b2: {  	s11 =	rddreg [dreg:$0x3];
	s12 =	sadd.s32 $0x1880, s25  }
0x2b3: {  	[hbm4b:s12+s21] =	stream.strided.scatter [tilespmem:s16], [sflag:$0x3], $0x700, s22, s21, $0x38;
	[tilespmem:$0xE700] =	vst v63  }
0x2b4: {  	s0 =	sadd.s32 s24, s11;
	s13 =	rddreg [dreg:$0xd]  }
0x2b5: {  	[hbm4b:s0+s21] =	stream.strided.scatter [tilespmem:s13], [sflag:$0x3], $0x700, s22, s21, $0x38;
	[tilespmem:$0xE700] =	vst v63  }
0x2b6: {  	s24 =	sadd.s32 $0x380, s0;
	s16 =	rddreg [dreg:$0xe]  }
0x2b7: {  	[hbm4b:s24+s21] =	stream.strided.scatter [tilespmem:s16], [sflag:$0x3], $0x700, s22, s21, $0x38;
	[tilespmem:$0xE700] =	vst v63  }
0x2b8: {  	s23 =	rddreg [dreg:$0xf];
	s24 =	sadd.s32 $0x700, s0  }
0x2b9: {  	[hbm4b:s24+s21] =	stream.strided.scatter [tilespmem:s23], [sflag:$0x3], $0x700, s22, s21, $0x38;
	[tilespmem:$0xE700] =	vst v63  }
0x2ba: {  	s28 =	rddreg [dreg:$0x10];
	s31 =	sadd.s32 $0xA80, s0  }
0x2bb: {  	[hbm4b:s31+s21] =	stream.strided.scatter [tilespmem:s28], [sflag:$0x3], $0x700, s22, s21, $0x38;
	[tilespmem:$0xE700] =	vst v63  }
0x2bc: {  	s7 =	rddreg [dreg:$0x11];
	s8 =	sadd.s32 $0xE00, s0  }
0x2bd: {  	[hbm4b:s8+s21] =	stream.strided.scatter [tilespmem:s7], [sflag:$0x3], $0x700, s22, s21, $0x38;
	[tilespmem:$0xE700] =	vst v63  }
0x2be: {  	s9 =	rddreg [dreg:$0x12];
	s10 =	sadd.s32 $0x1180, s0  }
0x2bf: {  	[hbm4b:s10+s21] =	stream.strided.scatter [tilespmem:s9], [sflag:$0x3], $0x700, s22, s21, $0x38;
	[tilespmem:$0xE700] =	vst v63  }
0x2c0: {  	s11 =	rddreg [dreg:$0x13];
	s12 =	sadd.s32 $0x1500, s0  }
0x2c1: {  	[hbm4b:s12+s21] =	stream.strided.scatter [tilespmem:s11], [sflag:$0x3], $0x700, s22, s21, $0x38;
	[tilespmem:$0xE700] =	vst v63  }
0x2c2: {  	s13 =	rddreg [dreg:$0x14];
	s0 =	sadd.s32 $0x1880, s0  }
0x2c3: {  	[hbm4b:s0+s21] =	stream.strided.scatter [tilespmem:s13], [sflag:$0x3], $0x700, s22, s21, $0x38;
	[tilespmem:$0xE700] =	vst v63  }
0x2c4: {  	_ =	swait.ge [sflag:s1], $0xE00  }
0x2c5: {  	[sflag:s1] =	ssyncset.done $0x0  }
0x2c6: {  	[sflag:s1] =	ssyncadd.s32 $0xFFFFF200  }
0x2c7: {  	_ =	swait.ge [sflag:s1], $0xE00  }
0x2c8: {  	[sflag:s1] =	ssyncset.done $0x0  }
0x2c9: {  	[sflag:s1] =	ssyncadd.s32 $0xFFFFF200  }
0x2ca: {  	_ =	swait.ge [sflag:s1], $0xE00  }
0x2cb: {  	[sflag:s1] =	ssyncset.done $0x0  }
0x2cc: {  	[sflag:s1] =	ssyncadd.s32 $0xFFFFF200  }
0x2cd: {  	_ =	swait.ge [sflag:s1], $0xE00  }
0x2ce: {  	[sflag:s1] =	ssyncset.done $0x0  }
0x2cf: {  	[sflag:s1] =	ssyncadd.s32 $0xFFFFF200  }
0x2d0: {  	_ =	swait.ge [sflag:s1], $0xE00  }
0x2d1: {  	[sflag:s1] =	ssyncset.done $0x0  }
0x2d2: {  	[sflag:s1] =	ssyncadd.s32 $0xFFFFF200  }
0x2d3: {  	_ =	swait.ge [sflag:s1], $0xE00  }
0x2d4: {  	[sflag:s1] =	ssyncset.done $0x0  }
0x2d5: {  	[sflag:s1] =	ssyncadd.s32 $0xFFFFF200  }
0x2d6: {  	_ =	swait.ge [sflag:s1], $0xE00  }
0x2d7: {  	[sflag:s1] =	ssyncset.done $0x0  }
0x2d8: {  	[sflag:s1] =	ssyncadd.s32 $0xFFFFF200  }
0x2d9: {  	_ =	swait.ge [sflag:s1], $0xE00  }
0x2da: {  	[sflag:s1] =	ssyncset.done $0x0  }
0x2db: {  	s16 =	sadd.s32 $0x3800, s25;
	[sflag:s1] =	ssyncadd.s32 $0xFFFFF200  }
0x2dc: {  	[hbm4b:s16+s21] =	stream.strided.scatter [tilespmem:s30], [sflag:$0x4], $0x700, s22, s21, $0x38;
	[tilespmem:$0xE700] =	vst v63  }
0x2dd: {  	s23 =	sadd.s32 $0x3B80, s25  }
0x2de: {  	[hbm4b:s23+s21] =	stream.strided.scatter [tilespmem:s29], [sflag:$0x4], $0x700, s22, s21, $0x38;
	[tilespmem:$0xE700] =	vst v63  }
0x2df: {  	s24 =	sadd.s32 $0x3F00, s25  }
0x2e0: {  	[hbm4b:s24+s21] =	stream.strided.scatter [tilespmem:s5], [sflag:$0x4], $0x700, s22, s21, $0x38;
	[tilespmem:$0xE700] =	vst v63  }
0x2e1: {  	s26 =	sadd.s32 $0x4280, s25  }
0x2e2: {  	[hbm4b:s26+s21] =	stream.strided.scatter [tilespmem:s14], [sflag:$0x4], $0x700, s22, s21, $0x38;
	[tilespmem:$0xE700] =	vst v63  }
0x2e3: {  	s28 =	sadd.s32 $0x4600, s25  }
0x2e4: {  	[hbm4b:s28+s21] =	stream.strided.scatter [tilespmem:s15], [sflag:$0x4], $0x700, s22, s21, $0x38;
	[tilespmem:$0xE700] =	vst v63  }
0x2e5: {  	s29 =	sadd.s32 $0x4980, s25  }
0x2e6: {  	[hbm4b:s29+s21] =	stream.strided.scatter [tilespmem:s17], [sflag:$0x4], $0x700, s22, s21, $0x38;
	[tilespmem:$0xE700] =	vst v63  }
0x2e7: {  	s30 =	sadd.s32 $0x4D00, s25  }
0x2e8: {  	[hbm4b:s30+s21] =	stream.strided.scatter [tilespmem:s18], [sflag:$0x4], $0x700, s22, s21, $0x38;
	[tilespmem:$0xE700] =	vst v63  }
0x2e9: {  	s31 =	sadd.s32 $0x5080, s25  }
0x2ea: {  	[hbm4b:s31+s21] =	stream.strided.scatter [tilespmem:s19], [sflag:$0x4], $0x700, s22, s21, $0x38;
	[tilespmem:$0xE700] =	vst v63  }
0x2eb: {  	s7 =	sadd.s32 $0x5400, s25;
	s5 =	rddreg [dreg:$0x15]  }
0x2ec: {  	[hbm4b:s7+s21] =	stream.strided.scatter [tilespmem:s5], [sflag:$0x4], $0x700, s22, s21, $0x38;
	[tilespmem:$0xE700] =	vst v63  }
0x2ed: {  	s9 =	sadd.s32 $0x5780, s25;
	s8 =	rddreg [dreg:$0x16]  }
0x2ee: {  	[hbm4b:s9+s21] =	stream.strided.scatter [tilespmem:s8], [sflag:$0x4], $0x700, s22, s21, $0x38;
	[tilespmem:$0xE700] =	vst v63  }
0x2ef: {  	s11 =	sadd.s32 $0x5B00, s25;
	s10 =	rddreg [dreg:$0x17]  }
0x2f0: {  	[hbm4b:s11+s21] =	stream.strided.scatter [tilespmem:s10], [sflag:$0x4], $0x700, s22, s21, $0x38;
	[tilespmem:$0xE700] =	vst v63  }
0x2f1: {  	s13 =	sadd.s32 $0x5E80, s25;
	s12 =	rddreg [dreg:$0x18]  }
0x2f2: {  	[hbm4b:s13+s21] =	stream.strided.scatter [tilespmem:s12], [sflag:$0x4], $0x700, s22, s21, $0x38;
	[tilespmem:$0xE700] =	vst v63  }
0x2f3: {  	s14 =	rddreg [dreg:$0x19];
	s15 =	sadd.s32 $0x6200, s25  }
0x2f4: {  	[hbm4b:s15+s21] =	stream.strided.scatter [tilespmem:s14], [sflag:$0x4], $0x700, s22, s21, $0x38;
	[tilespmem:$0xE700] =	vst v63  }
0x2f5: {  	s16 =	rddreg [dreg:$0x1a];
	s17 =	sadd.s32 $0x6580, s25  }
0x2f6: {  	[hbm4b:s17+s21] =	stream.strided.scatter [tilespmem:s16], [sflag:$0x4], $0x700, s22, s21, $0x38;
	[tilespmem:$0xE700] =	vst v63  }
0x2f7: {  	s18 =	rddreg [dreg:$0x1b];
	s19 =	sadd.s32 $0x6900, s25  }
0x2f8: {  	[hbm4b:s19+s21] =	stream.strided.scatter [tilespmem:s18], [sflag:$0x4], $0x700, s22, s21, $0x38;
	[tilespmem:$0xE700] =	vst v63  }
0x2f9: {  	s23 =	rddreg [dreg:$0x1c];
	s26 =	sadd.s32 $0x6C80, s25;
	s28 =	simm.s32 $0x3  }
0x2fa: {  	[hbm4b:s26+s21] =	stream.strided.scatter [tilespmem:s23], [sflag:$0x4], $0x700, s22, s21, $0x38;
	[tilespmem:$0xE700] =	vst v63  }
0x2fb: {  	_ =	swait.ge [sflag:s28], $0x3800  }
0x2fc: {  	[sflag:s28] =	ssyncset.done $0x0  }
0x2fd: {  	[sflag:s28] =	ssyncadd.s32 $0xFFFFC800  }
0x2fe: {  	_ =	swait.ge [sflag:s28], $0x3800  }
0x2ff: {  	[sflag:s28] =	ssyncset.done $0x0  }
0x300: {  	s29 =	simm.s32 $0x4;
	[sflag:s28] =	ssyncadd.s32 $0xFFFFC800  }
0x301: {  	_ =	swait.ge [sflag:s29], $0x3800  }
0x302: {  	[sflag:s29] =	ssyncset.done $0x0  }
0x303: {  	[sflag:s29] =	ssyncadd.s32 $0xFFFFC800  }
0x304: {  	_ =	swait.ge [sflag:s29], $0x3800  }
0x305: {  	s30 =	sld [smem:$0x7F4];
	_ =	sdelay $0x2  }
0x306: {  	s31 =	rddreg [dreg:$0x1f];
	s6 =	sadd.s32 $0x1, s30  }
0x307: {  	p0 =	sne.s32 s6, s31  }
.Ltmp1:
0x308: {  	_ = 	snop;
	(pc) =	sbr.rel @p0 .LBB2_1-.Ltmp1, $3  }
0x309: {  	_ =	sdelay $0x1  }
0x30a: {  	[sflag:s29] =	ssyncset.done $0x0  }
0x30b: {  	[sflag:s29] =	ssyncadd.s32 $0xFFFFC800  }
0x30c: {  	_ =	sfence.sel $0x180000  }
0x30d: {  	[bflag:$0x0] =	sbarrier.arrive $0xFFFF  }
0x30e: {  	_ =	strace $0x90000047  }
0x30f: {  	s0 =	stileid.u32;
	[bflag:$0x2] =	sbarrier.arrive $0xFFFF  }
0x310: {  	p0 =	sne.s32 s0, $0x0;
	s0 =	rddreg [dreg:$0x2]  }
0x311: {  	s0 =	sadd.s32 @!p0 $0x100000, s0  }
0x312: {  	[sflag:s0] =	ssyncadd.tile.s32 @!p0 $0x1;
	_ =	shalt  }
.Lfunc_end2:
_tile_overlayer_lowered:
.L_overlay_start_2:
0x313: {  	(tag) =	ssettag $0x2  }
0x314: {  	s0 =	rddreg [dreg:$0x0];
	s2 =	stileid.u32  }
0x315: {  	s1 =	rddreg [dreg:$0x1];
	p0 =	sne.s32 s2, $0x0  }
0x316: {  	s3 =	rddreg [dreg:$0x2];
	[bflag:$0x3] =	sbarrier.arrive $0xFFFF;
	s2 =	simm.s32 @!p0 $0x1C05  }
0x317: {  	[timem:s3], [sflag:s2] =	dma.local @!p0 [hbm:s0], s1  }
0x318: {  	s0 =	simm.s32 @!p0 $0x5  }
0x319: {  	_ =	swait.ge @!p0 [sflag:s0], s1  }
0x31a: {  	s1 =	ssub.s32 @!p0 $0x0, s1;
	[sflag:s0] =	ssyncset.done @!p0 $0x0  }
0x31b: {  	[sflag:s0] =	ssyncadd.s32 @!p0 s1  }
0x31c: {  	[bflag:$0x3] =	sbarrier.arrive $0xFFFF  }
0x31d: {  	_ =	shalt  }

// kernel: sparse-core-data-format-call.cloned.1.call-start
scs
called_computation_lowered:
.L_overlay_start_0:
0x0: {  	s2 =	sld [smem:$0x3FD9]  }
0x1: {  	s3 =	sld [smem:$0x3FFE];
	_ =	sdelay $0x1  }
0x2: {  	s1 =	srdreg.scid  }
0x3: {  	s0 =	sand.u32 $0x1, s1  }
0x4: {  	s18 =	sshll.u32 s0, $0xA;
	s2 =	sadd.s32 s3, s2  }
0x5: {  	s2 =	sadd.s32 s2, s18  }
0x6: {  	[smem:$0x3FC6] =	sst s2  }
0x7: {  	_ = 	snop  }
0x8: {  	s2 =	sld [smem:$0x3FD0];
	(tm) =	ssettm $0x1  }
0x9: {  	s19 =	sld [smem:$0x3FFB];
	_ =	sdelay $0x3  }
0xa: {  	_ =	strace s19  }
0xb: {  	s3 =	sld [smem:$0x3FFC];
	_ =	sdelay $0x3  }
0xc: {  	_ =	strace s3  }
0xd: {  	s3 =	sld [smem:$0x3FFD];
	_ =	sdelay $0x3  }
0xe: {  	_ =	strace s3  }
0xf: {  	_ =	strace $0x8FFFFFFF  }
0x10: {  	s20 =	sld [smem:$0x3FDB];
	_ =	sdelay $0x1  }
0x11: {  	s4 =	simm.s32 $_scs_section_size  }
0x12: {  	s5 =	simm.s32 $_size__tile_overlayer_lowered;
	s6 =	simm.s32 $_tile_overlayer_lowered  }
0x13: {  	s23 =	simm.s32 $0x1BFF;
	s22 =	sshll.u32 s6, $0x1;
	s3 =	sadd.s32 s4, s20  }
0x14: {  	s7 =	simm.s32 $0x0;
	s21 =	sshll.u32 s5, $0x1;
	s5 =	sadd.s32 s22, s3  }
0x15: {  	[timem:s7], [sflag:s23] =	dma.local [hbm:s5], s21  }
0x16: {  	_ =	swait.ge [sflag:s23], s21  }
0x17: {  	s4 =	ssub.s32 $0x0, s21;
	[sflag:s23] =	ssyncset.done $0x0  }
0x18: {  	[sflag:s23] =	ssyncadd.s32 s4;
	_ =	sdelay $0x1  }
0x19: {  	s24 =	simm.s32 $0x1B8B  }
0x1a: {  	_ =	swait.ge [sflag:s24], $0x1  }
0x1b: {  	[sflag:s24] =	ssyncset.done $0x0  }
0x1c: {  	s26 =	simm.s32 $0x1B8E;
	s25 =	sld [smem:$0x3FFE];
	[sflag:s24] =	ssyncadd.s32 $0xFFFFFFFF  }
0x1d: {  	s27 =	simm.s32 $execute0_lowered;
	[smem:$0x3FD2] =	sst s26  }
0x1e: {  	s5 =	sshll.u32 s27, $0x1;
	_ =	strace $0x80000049;
	[dreg:$0x1] =	wrdreg $0xFFFFFFFF  }
0x1f: {  	s28 =	simm.s32 $_size_execute0_lowered;
	s3 =	sadd.s32 s3, s5;
	[dreg:$0x0] =	wrdreg $0x0  }
0x20: {  	s5 =	sshll.u32 s28, $0x1;
	[dreg:$0x2] =	wrdreg s3  }
0x21: {  	[dreg:$0x3] =	wrdreg s5  }
0x22: {  	[dreg:$0x4] =	wrdreg $0xC0  }
0x23: {  	_ =	task [dreg:s7], $0x5FFFF  }
0x24: {  	[dreg:$0x1] =	wrdreg $0xFFFFFFFF  }
0x25: {  	[dreg:$0x0] =	wrdreg $0x60  }
0x26: {  	[dreg:$0x2] =	wrdreg s25  }
0x27: {  	[dreg:$0x3] =	wrdreg s2  }
0x28: {  	[dreg:$0x4] =	wrdreg $0x9  }
0x29: {  	_ =	task.clear_ibuf [dreg:s7], $0x5FFFF;
	_ =	strace $0x90000049  }
0x2a: {  	s29 =	simm.s32 $0x9;
	_ =	strace $0x8000004B  }
0x2b: {  	_ =	swait.ge [sflag:s29], $0x1  }
0x2c: {  	[sflag:s29] =	ssyncadd.s32 $0xFFFFFFFF  }
0x2d: {  	_ =	strace $0x9000004B  }
0x2e: {  	_ =	sfence  }
0x2f: {  	s30 =	sld [smem:$0x0];
	_ =	sdelay $0x2  }
0x30: {  	s31 =	sshll.u32 s1, $0xD;
	s1 =	sshrl.u32 s1, $0x2  }
0x31: {  	s3 =	sand.u32 $0x4000, s31;
	s1 =	sadd.s32 s1, s30  }
0x32: {  	s0 =	sor.u32 s3, s0;
	s1 =	sshll.u32 s1, $0x11  }
0x33: {  	s0 =	sor.u32 s1, s0  }
0x34: {  	s0 =	sadd.s32 $0x8F2B, s0  }
0x35: {  	[sflag:s0] =	ssyncadd.remote.s32 $0x1  }
0x36: {  	_ =	sfence.sel $0xFFFF  }
0x37: {  	[dreg:$0x0] =	wrdreg $0xFFFFFFFF;
	(pc) =	sbr.abs _section_cstart, $3  }
0x38: {  	[dreg:$0x1] =	wrdreg $0xFFFFFFFF  }
0x39: {  	_ =	task.clear_ibuf [dreg:s7], $0x2FFFF;
	_ =	strace $0x9FFFFFFF  }
0x3a: {  	(tm) =	ssettm $0x7FFFFFFF  }
0x3b: {  	_ =	shalt  }
tec
execute0_lowered:
.L_overlay_start_1:
0x0: {  	(tag) =	ssettag $0x1  }
0x1: {  	s0 =	srdreg.scid  }
0x2: {  	s1 =	sshll.u32 s0, $0x4  }
0x3: {  	s0 =	stileid.u32;
	s1 =	sand.u32 $0x10, s1  }
0x4: {  	s1 =	sor.u32 s0, s1  }
0x5: {  	s6 =	rddreg [dreg:$0x0];
	s4 =	simm.s32 $0x1;
	s2 =	sshll.u32 s1, $0x7  }
0x6: {  	s7 =	simm.s32 $0x2;
	s12 =	simm.s32 $0x0;
	s1 =	ssub.s32 $0x4000, s2  }
0x7: {  	s8 =	simm.s32 $0x20000;
	s13 =	simm.s32 $0x0;
	s3 =	sand.u32 $0xF80, s1  }
0x8: {  	s9 =	simm.s32 $0x0;
	s5 =	sshrl.u32 s1, $0xC;
	p0 =	sne.s32 s3, $0x0  }
.Ltmp0:
0x9: {  	s1 =	rddreg [dreg:$0x2];
	s4 =	simm.s32 @!p0 $0x0;
	(pc) =	sbr.rel .LBB1_1-.Ltmp0, $4  }
0xa: {  	s11 =	simm.s32 $0x0;
	s3 =	rddreg [dreg:$0x1];
	s5 =	sadd.s32 s4, s5  }
0xb: {  	_ =	strace $0x8000004A;
	s4 =	simm.s32 $0x1;
	s5 =	smul.u32 $0x32, s5  }
0xc: {  	s6 =	sadd.s32 $0xC00, s6;
	s10 =	smov.u32 s2;
	[sflag:s4] =	ssyncpa.u1 $0x0  }
0xd: {  	p0 =	por $0x0, $0x0;
	[sflag:s7] =	ssyncpa.u1 $0x0;
	s7 =	sor.u32 $0x1, s5  }
.LBB1_4:
0xe: {  	s16 =	sshll.u32 s13, $0x3;
	s17 =	sand.u32 $0x78, s13  }
0xf: {  	s30 =	sand.u32 $0xF800, s13;
	s12 =	sshll.u32 s12, $0x10;
	s16 =	sand.u32 $0x3C00, s16  }
0x10: {  	s31 =	sand.u32 $0x7, s13;
	s16 =	sor.u32 s17, s16;
	s17 =	sadd.s32 s3, s30  }
0x11: {  	s13 =	sshll.u32 s31, $0x12;
	s16 =	sshrl.u32 s16, $0x3;
	s12 =	sadd.s32 s12, s17  }
0x12: {  	[tilespmem:s15+$0x0 ss:$0x81] =	vst.msk $0xffff, v0;
	s13 =	sor.u32 $0x400, s13;
	s12 =	sadd.s32 s16, s12  }
0x13: {  	[hbm4b:s12+s13] =	stream.strided.scatter [tilespmem:s14], [sflag:$0x2], $0x1000, s8, s13, $0x20;
	[tilespmem:$0x4040] =	vst v63  }
.LBB1_5:
0x14: {  	s14 =	sadd.s32 $0x1, s9  }
0x15: {  	s12 =	sadd.s32 $0x1000, s10;
	s16 =	smov.u32 s10;
	p2 =	sgt.s32 s14, $0x31  }
0x16: {  	s16 =	smov.u32 @p2 s12  }
0x17: {  	s14 =	simm.s32 @p2 $0x0;
	p2 =	sgt.s32 s16, $0x3FFF  }
0x18: {  	s16 =	smov.u32 @p2 s2;
	p2 =	sne.s32 s11, s7  }
.Ltmp1:
0x19: {  	p1 =	slt.u32 s11, $0x2;
	(pc) =	sbr.rel @!p2 .LBB1_6-.Ltmp1, $4  }
0x1a: {  	s15 =	simm.s32 @!p1 $0x2  }
0x1b: {  	s13 =	smov.u32 s10;
	p0 =	por !p0, !p0;
	_ =	swait.ge @!p1 [sflag:s15], $0x1000  }
0x1c: {  	s12 =	smov.u32 s9;
	[sflag:s15] =	ssyncset.done @!p1 $0x0;
	s9 =	smov.u32 s14  }
0x1d: {  	s11 =	sadd.s32 $0x1, s11;
	[sflag:s15] =	ssyncadd.s32 @!p1 $0xFFFFF000;
	s10 =	smov.u32 s16  }
.LBB1_1:
0x1e: {  	p1 =	sge.u32 s11, s5  }
0x1f: {  	s14 =	sand.u32 @!p1 $0x1FFFFFF, s9  }
0x20: {  	s15 =	smulhi.u32 @!p1 $0x4924925, s14;
	_ =	sdelay $0x1  }
0x21: {  	s15 =	smul.u32 @!p1 $0x38, s15  }
0x22: {  	s16 =	sxor.u32 @!p1 $0xFFFFFFFF, s11;
	s17 =	smul.u32 @!p1 $0x380, s10  }
0x23: {  	s31 =	sadd.s32 $0xFFFFFFFF, s11;
	s16 =	sshll.u32 @!p1 s16, $0xC;
	s14 =	ssub.s32 @!p1 s14, s15  }
0x24: {  	s15 =	sand.u32 @!p1 $0x1000, s16;
	s16 =	sadd.s32 @!p1 s6, s17;
	s14 =	sshll.u32 @!p1 s14, $0x4  }
0x25: {  	s17 =	simm.s32 @!p1 $0x1C00;
	s14 =	sadd.s32 @!p1 s14, s16;
	s16 =	simm.s32 @!p1 $0x20  }
0x26: {  	[tilespmem:s15], [sflag:$0x1] =	stream.strided.gather @!p1 [hbm4b:s14+s16], $0x1000, s17, s16, $0x38;
	[tilespmem:$0x4040] =	vst v63  }
0x27: {  	p1 =	sge.u32 s31, s5  }
.Ltmp2:
0x28: {  	_ = 	snop;
	(pc) =	sbr.rel @p1 .LBB1_5-.Ltmp2, $1  }
0x29: {  	_ =	sdelay $0x3  }
0x2a: {  	s14 =	simm.s32 $0x1  }
0x2b: {  	_ =	swait.ge [sflag:s4], $0x1000;
	s14 =	simm.s32 @!p0 $0x0  }
0x2c: {  	[sflag:s4] =	ssyncset.done $0x0;
	s15 =	sshll.u32 s14, $0xC  }
0x2d: {  	[sflag:s4] =	ssyncadd.s32 $0xFFFFF000;
	s18 =	sor.u32 $0x10, s15  }
0x2e: {  	s14 =	smul.u32 $0x4080, s14;
	v1 =	vld [tilespmem:s18+$0x0]  }
0x2f: {  	s30 =	sand.u32 $0x1, s11;
	v0 =	vld [tilespmem:s18+$0xFFFFFFF0]  }
0x30: {  	s15 =	smul.u32 $0x4080, s30;
	s14 =	sshrl.u32 s14, $0x2  }
0x31: {  	s16 =	sor.u32 $0x2000, s14  }
0x32: {  	s31 =	sshrl.u32 s15, $0x2;
	s15 =	sadd.s32 $0x0, s16  }
0x33: {  	s17 =	simm.s32 $0x4;
	s18 =	sadd.s32 $0x20, s18;
	s14 =	sor.u32 $0x2000, s31;
	[tilespmem:s15+$0x810 ss:$0x81] =	vst.msk $0xffff, v1  }
.LBB1_3:
0x34: {  	v1 =	vld [tilespmem:s18+$0x0];
	p1 =	sne.s32 s17, $0x1FC;
	[tilespmem:s15+$0x0 ss:$0x81] =	vst.msk $0xffff, v0;
	s15 =	smov.u32 s17;
	s17 =	sadd.s32 $0x4, s17  }
.Ltmp3:
0x35: {  	v0 =	vld [tilespmem:s18+$0xFFFFFFF0];
	(pc) =	sbr.rel @p1 .LBB1_3-.Ltmp3, $4  }
0x36: {  	_ = 	snop  }
0x37: {  	s15 =	sshra.s32 s15, $0x2  }
0x38: {  	s15 =	sadd.s32 s15, s16  }
0x39: {  	s18 =	sadd.s32 $0x20, s18;
	[tilespmem:s15+$0x810 ss:$0x81] =	vst.msk $0xffff, v1  }
.Ltmp4:
0x3a: {  	_ = 	snop;
	(pc) =	sbr.rel .LBB1_4-.Ltmp4, $1  }
0x3b: {  	_ =	sdelay $0x3  }
.LBB1_6:
0x3c: {  	_ =	sfence.sel $0x180000  }
0x3d: {  	s2 =	simm.s32 $0x1;
	[bflag:$0x0] =	sbarrier.arrive $0xFFFF  }
0x3e: {  	s31 =	simm.s32 $0x2;
	[sflag:s2] =	ssyncpa.u1 $0x1  }
0x3f: {  	[sflag:s31] =	ssyncpa.u1 $0x1  }
0x40: {  	p0 =	sne.s32 s0, $0x0;
	_ =	strace $0x9000004A  }
0x41: {  	s0 =	sadd.s32 @!p0 $0x100000, s1;
	[bflag:$0x2] =	sbarrier.arrive $0xFFFF  }
0x42: {  	[sflag:s0] =	ssyncadd.tile.s32 @!p0 $0x1;
	_ =	shalt  }
.Lfunc_end1:
_tile_overlayer_lowered:
.L_overlay_start_2:
0x43: {  	(tag) =	ssettag $0x2  }
0x44: {  	s0 =	rddreg [dreg:$0x0];
	s2 =	stileid.u32  }
0x45: {  	s1 =	rddreg [dreg:$0x1];
	p0 =	sne.s32 s2, $0x0  }
0x46: {  	s3 =	rddreg [dreg:$0x2];
	[bflag:$0x3] =	sbarrier.arrive $0xFFFF;
	s2 =	simm.s32 @!p0 $0x1C01  }
0x47: {  	[timem:s3], [sflag:s2] =	dma.local @!p0 [hbm:s0], s1  }
0x48: {  	s0 =	simm.s32 @!p0 $0x1  }
0x49: {  	_ =	swait.ge @!p0 [sflag:s0], s1  }
0x4a: {  	s1 =	ssub.s32 @!p0 $0x0, s1;
	[sflag:s0] =	ssyncset.done @!p0 $0x0  }
0x4b: {  	[sflag:s0] =	ssyncadd.s32 @!p0 s1  }
0x4c: {  	[bflag:$0x3] =	sbarrier.arrive $0xFFFF  }
0x4d: {  	_ =	shalt  }

</sc_bundles>
